<compile_context>
chip_gen: v7x
topology: tpu7x:2x2x1
jax: 0.10.2.dev20260603
libtpu: 0.0.44.dev20260713+nightly
codegen_flags: <defaults>
</compile_context>

<pallas_src>
import jax
import jax.numpy as jnp
from jax import lax
from jax.experimental import pallas as pl
from jax.experimental.pallas import tpu as pltpu
from jax.experimental.pallas import tpu_sc as plsc

N_NODES = 10000
N_EDGES = 320000
FEATS = 128

NC = 2
NS = 16
CHUNK = 128
NCHUNK = 80
E_TILE = NCHUNK * CHUNK
E_PAD = NC * NS * E_TILE
ACC_ROWS = 10240
DUMMY_DST = N_NODES

ROWS_PER_TILE = ACC_ROWS // NS


def _tc_linear_relu(x_ref, w_ref, b_ref, h_ref):
    h = lax.dot_general(
        x_ref[...], w_ref[...], (((1,), (1,)), ((), ())),
        preferred_element_type=jnp.float32)
    h_ref[...] = jnp.maximum(h + b_ref[...], 0.0)


def _tc_add(a_ref, b_ref, o_ref):
    o_ref[...] = a_ref[...] + b_ref[...]


def _sc_body(h_hbm, e_hbm, out0, out1,
             idx_v, rows_v, acc, sem0, sem1):
    c = lax.axis_index("c")
    s = lax.axis_index("s")
    cb = (c * NS + s) * NCHUNK

    zeros16 = jnp.zeros((16,), jnp.float32)

    def _zero_row(i, _):
        for k in range(FEATS // 16):
            rows_v[0, i, pl.ds(k * 16, 16)] = zeros16
        return 0

    lax.fori_loop(0, CHUNK, _zero_row, 0)

    for k in range(ROWS_PER_TILE // CHUNK):
        pltpu.sync_copy(rows_v.at[0],
                        acc.at[pl.ds(s * ROWS_PER_TILE + k * CHUNK, CHUNK)])
    plsc.subcore_barrier()

    def _load_idx(j, b):
        pltpu.sync_copy(e_hbm.at[cb + j], idx_v.at[b])

    def _gather(j, b, sem):
        del j
        return pltpu.async_copy(h_hbm.at[idx_v.at[b, 0]], rows_v.at[b], sem)

    def _gwait(j, b, sem):
        del j
        pltpu.make_async_copy(
            h_hbm.at[idx_v.at[b, 0]], rows_v.at[b], sem).wait()

    def _scatter(j, b):
        del j
        pltpu.sync_copy(rows_v.at[b], acc.at[idx_v.at[b, 1]], add=True)

    _load_idx(0, 0)
    _load_idx(1, 1)
    _gather(0, 0, sem0)

    def _pair(t, _):
        j0 = 2 * t
        _gather(j0 + 1, 1, sem1)
        _gwait(j0, 0, sem0)
        _scatter(j0, 0)

        @pl.when(t + 1 < NCHUNK // 2)
        def _():
            _load_idx(j0 + 2, 0)
            _gather(j0 + 2, 0, sem0)

        _gwait(j0 + 1, 1, sem1)
        _scatter(j0 + 1, 1)

        @pl.when(t + 1 < NCHUNK // 2)
        def _():
            _load_idx(j0 + 3, 1)

        return 0

    lax.fori_loop(0, NCHUNK // 2, _pair, 0)
    plsc.subcore_barrier()

    def _writeback(out_hbm):
        for k in range(ROWS_PER_TILE // CHUNK):
            r0 = s * ROWS_PER_TILE + k * CHUNK
            pltpu.sync_copy(acc.at[pl.ds(r0, CHUNK)], rows_v.at[0])
            pltpu.sync_copy(rows_v.at[0], out_hbm.at[pl.ds(r0, CHUNK)])

    pl.when(c == 0)(lambda: _writeback(out0))
    pl.when(c == 1)(lambda: _writeback(out1))


@jax.jit
def kernel(x, edge_index, W, b):
    f32 = jnp.float32
    h = pl.pallas_call(
        _tc_linear_relu,
        grid=(10,),
        in_specs=[
            pl.BlockSpec((1000, FEATS), lambda i: (i, 0)),
            pl.BlockSpec((FEATS, FEATS), lambda i: (0, 0)),
            pl.BlockSpec((1, FEATS), lambda i: (0, 0)),
        ],
        out_specs=pl.BlockSpec((1000, FEATS), lambda i: (i, 0)),
        out_shape=jax.ShapeDtypeStruct((N_NODES, FEATS), f32),
    )(x, W, b.reshape(1, FEATS))

    src = edge_index[0].astype(jnp.int32)
    dst = edge_index[1].astype(jnp.int32)
    pad = E_PAD - N_EDGES
    src_p = jnp.concatenate([src, jnp.zeros((pad,), jnp.int32)])
    dst_p = jnp.concatenate([dst, jnp.full((pad,), DUMMY_DST, jnp.int32)])
    e_p = jnp.stack([src_p.reshape(E_PAD // CHUNK, CHUNK),
                     dst_p.reshape(E_PAD // CHUNK, CHUNK)], axis=1)

    mesh = plsc.VectorSubcoreMesh(
        core_axis_name="c", subcore_axis_name="s",
        num_cores=NC, num_subcores=NS)
    p0, p1 = pl.kernel(
        _sc_body,
        out_type=(jax.ShapeDtypeStruct((ACC_ROWS, FEATS), f32),
                  jax.ShapeDtypeStruct((ACC_ROWS, FEATS), f32)),
        mesh=mesh,
        scratch_types=[
            pltpu.VMEM((2, 2, CHUNK), jnp.int32),
            pltpu.VMEM((2, CHUNK, FEATS), f32),
            pltpu.VMEM_SHARED((ACC_ROWS, FEATS), f32),
            pltpu.SemaphoreType.DMA,
            pltpu.SemaphoreType.DMA,
        ],
    )(h, e_p)

    out = pl.pallas_call(
        _tc_add,
        grid=(10,),
        in_specs=[
            pl.BlockSpec((1000, FEATS), lambda i: (i, 0)),
            pl.BlockSpec((1000, FEATS), lambda i: (i, 0)),
        ],
        out_specs=pl.BlockSpec((1000, FEATS), lambda i: (i, 0)),
        out_shape=jax.ShapeDtypeStruct((N_NODES, FEATS), f32),
    )(p0[:N_NODES], p1[:N_NODES])
    return out

# --- scband reference (transcript-rebuilt; emitter-appended) ---
"""Pipeline reference for scband-gnn-55473797595402 (READ-ONLY COPY).

The authoritative reference and input builder live on the scoring server;
editing this copy changes nothing except your own understanding.
"""

import jax, jax.numpy as jnp
import numpy as np

N_NODES = 10000
N_EDGES = 320000
IN_FEATS = 128
OUT_FEATS = 128


def setup_inputs(seed: int = 0) -> dict:
    key = jax.random.key(seed)
    k1, k2, k3, k4 = jax.random.split(key, 4)
    x = jax.random.normal(k1, (N_NODES, IN_FEATS), dtype=jnp.float32)
    edge_index = jax.random.randint(k2, (2, N_EDGES), 0, N_NODES, dtype=jnp.int64)
    # nn.Linear(in_feats, out_feats): weight [out, in], bias [out]
    bound = 1.0 / np.sqrt(IN_FEATS)
    W = jax.random.uniform(k3, (OUT_FEATS, IN_FEATS), dtype=jnp.float32, minval=-bound, maxval=bound)
    b = jax.random.uniform(k4, (OUT_FEATS,), dtype=jnp.float32, minval=-bound, maxval=bound)
    return {"x": x, "edge_index": edge_index, "W": W, "b": b}


def reference(x, edge_index, W, b):
    # h = activation(linear(x)) ; dropout p=0.0 (eval/identity)
    h = jax.nn.relu(x @ W.T + b)
    # DGL update_all with copy_u message + sum reduce:
    # gather h at src nodes, scatter-add into dst nodes
    src = edge_index[0]
    dst = edge_index[1]
    msgs = jnp.take(h, src, axis=0)
    out = jax.ops.segment_sum(msgs, dst, num_segments=N_NODES)
    return out

if __name__ == "__main__":
    import jax
    _d = setup_inputs()
    print(jax.jit(kernel)(*tuple(_d.values())))

</pallas_src>

<mosaic_0001>
#map = affine_map<(d0, d1) -> (0, 0)>
#map1 = affine_map<(d0, d1) -> (0, 0, 0)>
module attributes {stable_mosaic.version = 14 : i64} {
  func.func @_sc_body(%arg0: i32, %arg1: i32, %arg2: memref<10000x128xf32, #tpu.memory_space<hbm>>, %arg3: memref<2560x2x128xi32, #tpu.memory_space<hbm>>, %arg4: memref<10240x128xf32, #tpu.memory_space<hbm>>, %arg5: memref<10240x128xf32, #tpu.memory_space<hbm>>, %arg6: memref<2x2x128xi32, #tpu.memory_space<vmem>>, %arg7: memref<2x128x128xf32, #tpu.memory_space<vmem>>, %arg8: memref<10240x128xf32, #tpu.memory_space<vmem_shared>>, %arg9: memref<!tpu.dma_semaphore, #tpu.memory_space<semaphore_mem>>, %arg10: memref<!tpu.dma_semaphore, #tpu.memory_space<semaphore_mem>>) attributes {dimension_semantics = [#tpu.dimension_semantics<core_parallel>, #tpu.dimension_semantics<subcore_parallel>], iteration_bounds = array<i64: 2, 16>, scalar_prefetch = 0 : i64, scratch_operands = 5 : i64, tpu.core_type = #tpu.core_type<sc_vector_subcore>, window_params = [{transform_indices = #map}, {transform_indices = #map1}, {transform_indices = #map}, {transform_indices = #map}]} {
    %mul3A = arith.constant 16 : i32
    %mul3A_0 = arith.muli %arg0, %mul3A : i32
    %add3A = arith.addi %mul3A_0, %arg1 : i32
    %mul3A_1 = arith.constant 80 : i32
    %mul3A_2 = arith.muli %add3A, %mul3A_1 : i32
    %broadcast_in_dim3A = arith.constant 0.000000e+00 : f32
    %broadcast_in_dim3A_3 = vector.broadcast %broadcast_in_dim3A : f32 to vector<16xf32>
    %scan3A = arith.constant 0 : i32
    %scan3A_4 = arith.constant 0 : i32
    %scan3A_5 = arith.constant 128 : i32
    %scan3A_6 = arith.addi %scan3A_4, %scan3A_5 : i32
    %scan3A_7 = arith.constant 1 : i32
    %scan3A_8 = scf.for %scan3A_67 = %scan3A_4 to %scan3A_6 step %scan3A_7 iter_args(%scan3A_68 = %scan3A) -> (i32)  : i32 {
      %swap3A = arith.constant 0 : i32
      %swap3A_69 = arith.index_cast %swap3A : i32 to index
      %swap3A_70 = arith.index_cast %scan3A_67 : i32 to index
      %swap3A_71 = arith.constant 0 : index
      %swap3A_72 = tpu.vector_load %arg7[%swap3A_69, %swap3A_70, %swap3A_71] {strides = array<i32>} : memref<2x128x128xf32, #tpu.memory_space<vmem>>, vector<1x1x16xf32>,
      %swap3A_73 = vector.shape_cast %swap3A_72 : vector<1x1x16xf32> to vector<16xf32>
      %swap3A_74 = vector.shape_cast %broadcast_in_dim3A_3 : vector<16xf32> to vector<1x1x16xf32>
      tpu.vector_store %arg7[%swap3A_69, %swap3A_70, %swap3A_71], %swap3A_74 {strides = array<i32>} : memref<2x128x128xf32, #tpu.memory_space<vmem>>, vector<1x1x16xf32>,
      %swap3A_75 = arith.constant 0 : i32
      %swap3A_76 = arith.index_cast %swap3A_75 : i32 to index
      %swap3A_77 = arith.index_cast %scan3A_67 : i32 to index
      %swap3A_78 = arith.constant 16 : index
      %swap3A_79 = tpu.vector_load %arg7[%swap3A_76, %swap3A_77, %swap3A_78] {strides = array<i32>} : memref<2x128x128xf32, #tpu.memory_space<vmem>>, vector<1x1x16xf32>,
      %swap3A_80 = vector.shape_cast %swap3A_79 : vector<1x1x16xf32> to vector<16xf32>
      %swap3A_81 = vector.shape_cast %broadcast_in_dim3A_3 : vector<16xf32> to vector<1x1x16xf32>
      tpu.vector_store %arg7[%swap3A_76, %swap3A_77, %swap3A_78], %swap3A_81 {strides = array<i32>} : memref<2x128x128xf32, #tpu.memory_space<vmem>>, vector<1x1x16xf32>,
      %swap3A_82 = arith.constant 0 : i32
      %swap3A_83 = arith.index_cast %swap3A_82 : i32 to index
      %swap3A_84 = arith.index_cast %scan3A_67 : i32 to index
      %swap3A_85 = arith.constant 32 : index
      %swap3A_86 = tpu.vector_load %arg7[%swap3A_83, %swap3A_84, %swap3A_85] {strides = array<i32>} : memref<2x128x128xf32, #tpu.memory_space<vmem>>, vector<1x1x16xf32>,
      %swap3A_87 = vector.shape_cast %swap3A_86 : vector<1x1x16xf32> to vector<16xf32>
      %swap3A_88 = vector.shape_cast %broadcast_in_dim3A_3 : vector<16xf32> to vector<1x1x16xf32>
      tpu.vector_store %arg7[%swap3A_83, %swap3A_84, %swap3A_85], %swap3A_88 {strides = array<i32>} : memref<2x128x128xf32, #tpu.memory_space<vmem>>, vector<1x1x16xf32>,
      %swap3A_89 = arith.constant 0 : i32
      %swap3A_90 = arith.index_cast %swap3A_89 : i32 to index
      %swap3A_91 = arith.index_cast %scan3A_67 : i32 to index
      %swap3A_92 = arith.constant 48 : index
      %swap3A_93 = tpu.vector_load %arg7[%swap3A_90, %swap3A_91, %swap3A_92] {strides = array<i32>} : memref<2x128x128xf32, #tpu.memory_space<vmem>>, vector<1x1x16xf32>,
      %swap3A_94 = vector.shape_cast %swap3A_93 : vector<1x1x16xf32> to vector<16xf32>
      %swap3A_95 = vector.shape_cast %broadcast_in_dim3A_3 : vector<16xf32> to vector<1x1x16xf32>
      tpu.vector_store %arg7[%swap3A_90, %swap3A_91, %swap3A_92], %swap3A_95 {strides = array<i32>} : memref<2x128x128xf32, #tpu.memory_space<vmem>>, vector<1x1x16xf32>,
      %swap3A_96 = arith.constant 0 : i32
      %swap3A_97 = arith.index_cast %swap3A_96 : i32 to index
      %swap3A_98 = arith.index_cast %scan3A_67 : i32 to index
      %swap3A_99 = arith.constant 64 : index
      %swap3A_100 = tpu.vector_load %arg7[%swap3A_97, %swap3A_98, %swap3A_99] {strides = array<i32>} : memref<2x128x128xf32, #tpu.memory_space<vmem>>, vector<1x1x16xf32>,
      %swap3A_101 = vector.shape_cast %swap3A_100 : vector<1x1x16xf32> to vector<16xf32>
      %swap3A_102 = vector.shape_cast %broadcast_in_dim3A_3 : vector<16xf32> to vector<1x1x16xf32>
      tpu.vector_store %arg7[%swap3A_97, %swap3A_98, %swap3A_99], %swap3A_102 {strides = array<i32>} : memref<2x128x128xf32, #tpu.memory_space<vmem>>, vector<1x1x16xf32>,
      %swap3A_103 = arith.constant 0 : i32
      %swap3A_104 = arith.index_cast %swap3A_103 : i32 to index
      %swap3A_105 = arith.index_cast %scan3A_67 : i32 to index
      %swap3A_106 = arith.constant 80 : index
      %swap3A_107 = tpu.vector_load %arg7[%swap3A_104, %swap3A_105, %swap3A_106] {strides = array<i32>} : memref<2x128x128xf32, #tpu.memory_space<vmem>>, vector<1x1x16xf32>,
      %swap3A_108 = vector.shape_cast %swap3A_107 : vector<1x1x16xf32> to vector<16xf32>
      %swap3A_109 = vector.shape_cast %broadcast_in_dim3A_3 : vector<16xf32> to vector<1x1x16xf32>
      tpu.vector_store %arg7[%swap3A_104, %swap3A_105, %swap3A_106], %swap3A_109 {strides = array<i32>} : memref<2x128x128xf32, #tpu.memory_space<vmem>>, vector<1x1x16xf32>,
      %swap3A_110 = arith.constant 0 : i32
      %swap3A_111 = arith.index_cast %swap3A_110 : i32 to index
      %swap3A_112 = arith.index_cast %scan3A_67 : i32 to index
      %swap3A_113 = arith.constant 96 : index
      %swap3A_114 = tpu.vector_load %arg7[%swap3A_111, %swap3A_112, %swap3A_113] {strides = array<i32>} : memref<2x128x128xf32, #tpu.memory_space<vmem>>, vector<1x1x16xf32>,
      %swap3A_115 = vector.shape_cast %swap3A_114 : vector<1x1x16xf32> to vector<16xf32>
      %swap3A_116 = vector.shape_cast %broadcast_in_dim3A_3 : vector<16xf32> to vector<1x1x16xf32>
      tpu.vector_store %arg7[%swap3A_111, %swap3A_112, %swap3A_113], %swap3A_116 {strides = array<i32>} : memref<2x128x128xf32, #tpu.memory_space<vmem>>, vector<1x1x16xf32>,
      %swap3A_117 = arith.constant 0 : i32
      %swap3A_118 = arith.index_cast %swap3A_117 : i32 to index
      %swap3A_119 = arith.index_cast %scan3A_67 : i32 to index
      %swap3A_120 = arith.constant 112 : index
      %swap3A_121 = tpu.vector_load %arg7[%swap3A_118, %swap3A_119, %swap3A_120] {strides = array<i32>} : memref<2x128x128xf32, #tpu.memory_space<vmem>>, vector<1x1x16xf32>,
      %swap3A_122 = vector.shape_cast %swap3A_121 : vector<1x1x16xf32> to vector<16xf32>
      %swap3A_123 = vector.shape_cast %broadcast_in_dim3A_3 : vector<16xf32> to vector<1x1x16xf32>
      tpu.vector_store %arg7[%swap3A_118, %swap3A_119, %swap3A_120], %swap3A_123 {strides = array<i32>} : memref<2x128x128xf32, #tpu.memory_space<vmem>>, vector<1x1x16xf32>,
      %scan3A_124 = arith.constant 0 : i32
      scf.yield %scan3A_124 : i32
    }
    %scan3A_9 = arith.constant 128 : i32
    %mul3A_10 = arith.constant 640 : i32
    %mul3A_11 = arith.muli %arg1, %mul3A_10 : i32
    %add3A_12 = arith.constant 0 : i32
    %add3A_13 = arith.addi %mul3A_11, %add3A_12 : i32
    %run_scoped3A = arith.constant 0 : i32
    "tpu.region"() ({
      %run_scoped3A_67 = tpu.sem_alloc : memref<!tpu.dma_semaphore, #tpu.memory_space<semaphore_mem>>
      %dma_start3A_68 = arith.constant 0 : i32
      %dma_start3A_69 = arith.constant 0 : i32
      %dma_start3A_70 = tpu.memref_slice %arg7[%run_scoped3A, %dma_start3A_68, %dma_start3A_69] : memref<2x128x128xf32, #tpu.memory_space<vmem>> -> memref<1x128x128xf32, #tpu.memory_space<vmem>>
      %dma_start3A_71 = tpu.memref_squeeze %dma_start3A_70 : memref<1x128x128xf32, #tpu.memory_space<vmem>> -> memref<128x128xf32, #tpu.memory_space<vmem>>
      %dma_start3A_72 = arith.constant 0 : i32
      %dma_start3A_73 = tpu.memref_slice %arg8[%add3A_13, %dma_start3A_72] : memref<10240x128xf32, #tpu.memory_space<vmem_shared>> -> memref<128x128xf32, #tpu.memory_space<vmem_shared>>
      %dma_start3A_74 = arith.constant 0 : i32
      %dma_start3A_75 = tpu.memref_slice %arg8[%add3A_13, %dma_start3A_74] : memref<10240x128xf32, #tpu.memory_space<vmem_shared>> -> memref<128x128xf32, #tpu.memory_space<vmem_shared>>
      %dma_start3A_76 = arith.constant 0 : i32
      %dma_start3A_77 = arith.constant 0 : i32
      %dma_start3A_78 = tpu.memref_slice %arg7[%run_scoped3A, %dma_start3A_76, %dma_start3A_77] : memref<2x128x128xf32, #tpu.memory_space<vmem>> -> memref<1x128x128xf32, #tpu.memory_space<vmem>>
      %dma_start3A_79 = tpu.memref_squeeze %dma_start3A_78 : memref<1x128x128xf32, #tpu.memory_space<vmem>> -> memref<128x128xf32, #tpu.memory_space<vmem>>
      tpu.enqueue_dma source(%dma_start3A_79 : memref<128x128xf32, #tpu.memory_space<vmem>>) target(%dma_start3A_75 : memref<128x128xf32, #tpu.memory_space<vmem_shared>>) target_semaphore(%run_scoped3A_67 : memref<!tpu.dma_semaphore, #tpu.memory_space<semaphore_mem>>)
      %dma_wait3A = arith.constant 0 : i32
      %dma_wait3A_80 = arith.constant 0 : i32
      %dma_wait3A_81 = tpu.memref_slice %arg7[%run_scoped3A, %dma_wait3A, %dma_wait3A_80] : memref<2x128x128xf32, #tpu.memory_space<vmem>> -> memref<1x128x128xf32, #tpu.memory_space<vmem>>
      %dma_wait3A_82 = tpu.memref_squeeze %dma_wait3A_81 : memref<1x128x128xf32, #tpu.memory_space<vmem>> -> memref<128x128xf32, #tpu.memory_space<vmem>>
      %dma_wait3A_83 = arith.constant 0 : i32
      %dma_wait3A_84 = tpu.memref_slice %arg8[%add3A_13, %dma_wait3A_83] : memref<10240x128xf32, #tpu.memory_space<vmem_shared>> -> memref<128x128xf32, #tpu.memory_space<vmem_shared>>
      %dma_wait3A_85 = arith.constant 0 : i32
      %dma_wait3A_86 = tpu.memref_slice %arg8[%add3A_13, %dma_wait3A_85] : memref<10240x128xf32, #tpu.memory_space<vmem_shared>> -> memref<128x128xf32, #tpu.memory_space<vmem_shared>>
      %dma_wait3A_87 = arith.constant 0 : i32
      %dma_wait3A_88 = arith.constant 0 : i32
      %dma_wait3A_89 = tpu.memref_slice %arg7[%run_scoped3A, %dma_wait3A_87, %dma_wait3A_88] : memref<2x128x128xf32, #tpu.memory_space<vmem>> -> memref<1x128x128xf32, #tpu.memory_space<vmem>>
      %dma_wait3A_90 = tpu.memref_squeeze %dma_wait3A_89 : memref<1x128x128xf32, #tpu.memory_space<vmem>> -> memref<128x128xf32, #tpu.memory_space<vmem>>
      tpu.wait_dma2 semaphore(%run_scoped3A_67 : memref<!tpu.dma_semaphore, #tpu.memory_space<semaphore_mem>>) src(%dma_wait3A_90 : memref<128x128xf32, #tpu.memory_space<vmem>>) dst(%dma_wait3A_86 : memref<128x128xf32, #tpu.memory_space<vmem_shared>>)
      tpu.yield
    }) : () -> ()
    %mul3A_14 = arith.constant 640 : i32
    %mul3A_15 = arith.muli %arg1, %mul3A_14 : i32
    %add3A_16 = arith.constant 128 : i32
    %add3A_17 = arith.addi %mul3A_15, %add3A_16 : i32
    %run_scoped3A_18 = arith.constant 0 : i32
    "tpu.region"() ({
      %run_scoped3A_67 = tpu.sem_alloc : memref<!tpu.dma_semaphore, #tpu.memory_space<semaphore_mem>>
      %dma_start3A_68 = arith.constant 0 : i32
      %dma_start3A_69 = arith.constant 0 : i32
      %dma_start3A_70 = tpu.memref_slice %arg7[%run_scoped3A_18, %dma_start3A_68, %dma_start3A_69] : memref<2x128x128xf32, #tpu.memory_space<vmem>> -> memref<1x128x128xf32, #tpu.memory_space<vmem>>
      %dma_start3A_71 = tpu.memref_squeeze %dma_start3A_70 : memref<1x128x128xf32, #tpu.memory_space<vmem>> -> memref<128x128xf32, #tpu.memory_space<vmem>>
      %dma_start3A_72 = arith.constant 0 : i32
      %dma_start3A_73 = tpu.memref_slice %arg8[%add3A_17, %dma_start3A_72] : memref<10240x128xf32, #tpu.memory_space<vmem_shared>> -> memref<128x128xf32, #tpu.memory_space<vmem_shared>>
      %dma_start3A_74 = arith.constant 0 : i32
      %dma_start3A_75 = tpu.memref_slice %arg8[%add3A_17, %dma_start3A_74] : memref<10240x128xf32, #tpu.memory_space<vmem_shared>> -> memref<128x128xf32, #tpu.memory_space<vmem_shared>>
      %dma_start3A_76 = arith.constant 0 : i32
      %dma_start3A_77 = arith.constant 0 : i32
      %dma_start3A_78 = tpu.memref_slice %arg7[%run_scoped3A_18, %dma_start3A_76, %dma_start3A_77] : memref<2x128x128xf32, #tpu.memory_space<vmem>> -> memref<1x128x128xf32, #tpu.memory_space<vmem>>
      %dma_start3A_79 = tpu.memref_squeeze %dma_start3A_78 : memref<1x128x128xf32, #tpu.memory_space<vmem>> -> memref<128x128xf32, #tpu.memory_space<vmem>>
      tpu.enqueue_dma source(%dma_start3A_79 : memref<128x128xf32, #tpu.memory_space<vmem>>) target(%dma_start3A_75 : memref<128x128xf32, #tpu.memory_space<vmem_shared>>) target_semaphore(%run_scoped3A_67 : memref<!tpu.dma_semaphore, #tpu.memory_space<semaphore_mem>>)
      %dma_wait3A = arith.constant 0 : i32
      %dma_wait3A_80 = arith.constant 0 : i32
      %dma_wait3A_81 = tpu.memref_slice %arg7[%run_scoped3A_18, %dma_wait3A, %dma_wait3A_80] : memref<2x128x128xf32, #tpu.memory_space<vmem>> -> memref<1x128x128xf32, #tpu.memory_space<vmem>>
      %dma_wait3A_82 = tpu.memref_squeeze %dma_wait3A_81 : memref<1x128x128xf32, #tpu.memory_space<vmem>> -> memref<128x128xf32, #tpu.memory_space<vmem>>
      %dma_wait3A_83 = arith.constant 0 : i32
      %dma_wait3A_84 = tpu.memref_slice %arg8[%add3A_17, %dma_wait3A_83] : memref<10240x128xf32, #tpu.memory_space<vmem_shared>> -> memref<128x128xf32, #tpu.memory_space<vmem_shared>>
      %dma_wait3A_85 = arith.constant 0 : i32
      %dma_wait3A_86 = tpu.memref_slice %arg8[%add3A_17, %dma_wait3A_85] : memref<10240x128xf32, #tpu.memory_space<vmem_shared>> -> memref<128x128xf32, #tpu.memory_space<vmem_shared>>
      %dma_wait3A_87 = arith.constant 0 : i32
      %dma_wait3A_88 = arith.constant 0 : i32
      %dma_wait3A_89 = tpu.memref_slice %arg7[%run_scoped3A_18, %dma_wait3A_87, %dma_wait3A_88] : memref<2x128x128xf32, #tpu.memory_space<vmem>> -> memref<1x128x128xf32, #tpu.memory_space<vmem>>
      %dma_wait3A_90 = tpu.memref_squeeze %dma_wait3A_89 : memref<1x128x128xf32, #tpu.memory_space<vmem>> -> memref<128x128xf32, #tpu.memory_space<vmem>>
      tpu.wait_dma2 semaphore(%run_scoped3A_67 : memref<!tpu.dma_semaphore, #tpu.memory_space<semaphore_mem>>) src(%dma_wait3A_90 : memref<128x128xf32, #tpu.memory_space<vmem>>) dst(%dma_wait3A_86 : memref<128x128xf32, #tpu.memory_space<vmem_shared>>)
      tpu.yield
    }) : () -> ()
    %mul3A_19 = arith.constant 640 : i32
    %mul3A_20 = arith.muli %arg1, %mul3A_19 : i32
    %add3A_21 = arith.constant 256 : i32
    %add3A_22 = arith.addi %mul3A_20, %add3A_21 : i32
    %run_scoped3A_23 = arith.constant 0 : i32
    "tpu.region"() ({
      %run_scoped3A_67 = tpu.sem_alloc : memref<!tpu.dma_semaphore, #tpu.memory_space<semaphore_mem>>
      %dma_start3A_68 = arith.constant 0 : i32
      %dma_start3A_69 = arith.constant 0 : i32
      %dma_start3A_70 = tpu.memref_slice %arg7[%run_scoped3A_23, %dma_start3A_68, %dma_start3A_69] : memref<2x128x128xf32, #tpu.memory_space<vmem>> -> memref<1x128x128xf32, #tpu.memory_space<vmem>>
      %dma_start3A_71 = tpu.memref_squeeze %dma_start3A_70 : memref<1x128x128xf32, #tpu.memory_space<vmem>> -> memref<128x128xf32, #tpu.memory_space<vmem>>
      %dma_start3A_72 = arith.constant 0 : i32
      %dma_start3A_73 = tpu.memref_slice %arg8[%add3A_22, %dma_start3A_72] : memref<10240x128xf32, #tpu.memory_space<vmem_shared>> -> memref<128x128xf32, #tpu.memory_space<vmem_shared>>
      %dma_start3A_74 = arith.constant 0 : i32
      %dma_start3A_75 = tpu.memref_slice %arg8[%add3A_22, %dma_start3A_74] : memref<10240x128xf32, #tpu.memory_space<vmem_shared>> -> memref<128x128xf32, #tpu.memory_space<vmem_shared>>
      %dma_start3A_76 = arith.constant 0 : i32
      %dma_start3A_77 = arith.constant 0 : i32
      %dma_start3A_78 = tpu.memref_slice %arg7[%run_scoped3A_23, %dma_start3A_76, %dma_start3A_77] : memref<2x128x128xf32, #tpu.memory_space<vmem>> -> memref<1x128x128xf32, #tpu.memory_space<vmem>>
      %dma_start3A_79 = tpu.memref_squeeze %dma_start3A_78 : memref<1x128x128xf32, #tpu.memory_space<vmem>> -> memref<128x128xf32, #tpu.memory_space<vmem>>
      tpu.enqueue_dma source(%dma_start3A_79 : memref<128x128xf32, #tpu.memory_space<vmem>>) target(%dma_start3A_75 : memref<128x128xf32, #tpu.memory_space<vmem_shared>>) target_semaphore(%run_scoped3A_67 : memref<!tpu.dma_semaphore, #tpu.memory_space<semaphore_mem>>)
      %dma_wait3A = arith.constant 0 : i32
      %dma_wait3A_80 = arith.constant 0 : i32
      %dma_wait3A_81 = tpu.memref_slice %arg7[%run_scoped3A_23, %dma_wait3A, %dma_wait3A_80] : memref<2x128x128xf32, #tpu.memory_space<vmem>> -> memref<1x128x128xf32, #tpu.memory_space<vmem>>
      %dma_wait3A_82 = tpu.memref_squeeze %dma_wait3A_81 : memref<1x128x128xf32, #tpu.memory_space<vmem>> -> memref<128x128xf32, #tpu.memory_space<vmem>>
      %dma_wait3A_83 = arith.constant 0 : i32
      %dma_wait3A_84 = tpu.memref_slice %arg8[%add3A_22, %dma_wait3A_83] : memref<10240x128xf32, #tpu.memory_space<vmem_shared>> -> memref<128x128xf32, #tpu.memory_space<vmem_shared>>
      %dma_wait3A_85 = arith.constant 0 : i32
      %dma_wait3A_86 = tpu.memref_slice %arg8[%add3A_22, %dma_wait3A_85] : memref<10240x128xf32, #tpu.memory_space<vmem_shared>> -> memref<128x128xf32, #tpu.memory_space<vmem_shared>>
      %dma_wait3A_87 = arith.constant 0 : i32
      %dma_wait3A_88 = arith.constant 0 : i32
      %dma_wait3A_89 = tpu.memref_slice %arg7[%run_scoped3A_23, %dma_wait3A_87, %dma_wait3A_88] : memref<2x128x128xf32, #tpu.memory_space<vmem>> -> memref<1x128x128xf32, #tpu.memory_space<vmem>>
      %dma_wait3A_90 = tpu.memref_squeeze %dma_wait3A_89 : memref<1x128x128xf32, #tpu.memory_space<vmem>> -> memref<128x128xf32, #tpu.memory_space<vmem>>
      tpu.wait_dma2 semaphore(%run_scoped3A_67 : memref<!tpu.dma_semaphore, #tpu.memory_space<semaphore_mem>>) src(%dma_wait3A_90 : memref<128x128xf32, #tpu.memory_space<vmem>>) dst(%dma_wait3A_86 : memref<128x128xf32, #tpu.memory_space<vmem_shared>>)
      tpu.yield
    }) : () -> ()
    %mul3A_24 = arith.constant 640 : i32
    %mul3A_25 = arith.muli %arg1, %mul3A_24 : i32
    %add3A_26 = arith.constant 384 : i32
    %add3A_27 = arith.addi %mul3A_25, %add3A_26 : i32
    %run_scoped3A_28 = arith.constant 0 : i32
    "tpu.region"() ({
      %run_scoped3A_67 = tpu.sem_alloc : memref<!tpu.dma_semaphore, #tpu.memory_space<semaphore_mem>>
      %dma_start3A_68 = arith.constant 0 : i32
      %dma_start3A_69 = arith.constant 0 : i32
      %dma_start3A_70 = tpu.memref_slice %arg7[%run_scoped3A_28, %dma_start3A_68, %dma_start3A_69] : memref<2x128x128xf32, #tpu.memory_space<vmem>> -> memref<1x128x128xf32, #tpu.memory_space<vmem>>
      %dma_start3A_71 = tpu.memref_squeeze %dma_start3A_70 : memref<1x128x128xf32, #tpu.memory_space<vmem>> -> memref<128x128xf32, #tpu.memory_space<vmem>>
      %dma_start3A_72 = arith.constant 0 : i32
      %dma_start3A_73 = tpu.memref_slice %arg8[%add3A_27, %dma_start3A_72] : memref<10240x128xf32, #tpu.memory_space<vmem_shared>> -> memref<128x128xf32, #tpu.memory_space<vmem_shared>>
      %dma_start3A_74 = arith.constant 0 : i32
      %dma_start3A_75 = tpu.memref_slice %arg8[%add3A_27, %dma_start3A_74] : memref<10240x128xf32, #tpu.memory_space<vmem_shared>> -> memref<128x128xf32, #tpu.memory_space<vmem_shared>>
      %dma_start3A_76 = arith.constant 0 : i32
      %dma_start3A_77 = arith.constant 0 : i32
      %dma_start3A_78 = tpu.memref_slice %arg7[%run_scoped3A_28, %dma_start3A_76, %dma_start3A_77] : memref<2x128x128xf32, #tpu.memory_space<vmem>> -> memref<1x128x128xf32, #tpu.memory_space<vmem>>
      %dma_start3A_79 = tpu.memref_squeeze %dma_start3A_78 : memref<1x128x128xf32, #tpu.memory_space<vmem>> -> memref<128x128xf32, #tpu.memory_space<vmem>>
      tpu.enqueue_dma source(%dma_start3A_79 : memref<128x128xf32, #tpu.memory_space<vmem>>) target(%dma_start3A_75 : memref<128x128xf32, #tpu.memory_space<vmem_shared>>) target_semaphore(%run_scoped3A_67 : memref<!tpu.dma_semaphore, #tpu.memory_space<semaphore_mem>>)
      %dma_wait3A = arith.constant 0 : i32
      %dma_wait3A_80 = arith.constant 0 : i32
      %dma_wait3A_81 = tpu.memref_slice %arg7[%run_scoped3A_28, %dma_wait3A, %dma_wait3A_80] : memref<2x128x128xf32, #tpu.memory_space<vmem>> -> memref<1x128x128xf32, #tpu.memory_space<vmem>>
      %dma_wait3A_82 = tpu.memref_squeeze %dma_wait3A_81 : memref<1x128x128xf32, #tpu.memory_space<vmem>> -> memref<128x128xf32, #tpu.memory_space<vmem>>
      %dma_wait3A_83 = arith.constant 0 : i32
      %dma_wait3A_84 = tpu.memref_slice %arg8[%add3A_27, %dma_wait3A_83] : memref<10240x128xf32, #tpu.memory_space<vmem_shared>> -> memref<128x128xf32, #tpu.memory_space<vmem_shared>>
      %dma_wait3A_85 = arith.constant 0 : i32
      %dma_wait3A_86 = tpu.memref_slice %arg8[%add3A_27, %dma_wait3A_85] : memref<10240x128xf32, #tpu.memory_space<vmem_shared>> -> memref<128x128xf32, #tpu.memory_space<vmem_shared>>
      %dma_wait3A_87 = arith.constant 0 : i32
      %dma_wait3A_88 = arith.constant 0 : i32
      %dma_wait3A_89 = tpu.memref_slice %arg7[%run_scoped3A_28, %dma_wait3A_87, %dma_wait3A_88] : memref<2x128x128xf32, #tpu.memory_space<vmem>> -> memref<1x128x128xf32, #tpu.memory_space<vmem>>
      %dma_wait3A_90 = tpu.memref_squeeze %dma_wait3A_89 : memref<1x128x128xf32, #tpu.memory_space<vmem>> -> memref<128x128xf32, #tpu.memory_space<vmem>>
      tpu.wait_dma2 semaphore(%run_scoped3A_67 : memref<!tpu.dma_semaphore, #tpu.memory_space<semaphore_mem>>) src(%dma_wait3A_90 : memref<128x128xf32, #tpu.memory_space<vmem>>) dst(%dma_wait3A_86 : memref<128x128xf32, #tpu.memory_space<vmem_shared>>)
      tpu.yield
    }) : () -> ()
    %mul3A_29 = arith.constant 640 : i32
    %mul3A_30 = arith.muli %arg1, %mul3A_29 : i32
    %add3A_31 = arith.constant 512 : i32
    %add3A_32 = arith.addi %mul3A_30, %add3A_31 : i32
    %run_scoped3A_33 = arith.constant 0 : i32
    "tpu.region"() ({
      %run_scoped3A_67 = tpu.sem_alloc : memref<!tpu.dma_semaphore, #tpu.memory_space<semaphore_mem>>
      %dma_start3A_68 = arith.constant 0 : i32
      %dma_start3A_69 = arith.constant 0 : i32
      %dma_start3A_70 = tpu.memref_slice %arg7[%run_scoped3A_33, %dma_start3A_68, %dma_start3A_69] : memref<2x128x128xf32, #tpu.memory_space<vmem>> -> memref<1x128x128xf32, #tpu.memory_space<vmem>>
      %dma_start3A_71 = tpu.memref_squeeze %dma_start3A_70 : memref<1x128x128xf32, #tpu.memory_space<vmem>> -> memref<128x128xf32, #tpu.memory_space<vmem>>
      %dma_start3A_72 = arith.constant 0 : i32
      %dma_start3A_73 = tpu.memref_slice %arg8[%add3A_32, %dma_start3A_72] : memref<10240x128xf32, #tpu.memory_space<vmem_shared>> -> memref<128x128xf32, #tpu.memory_space<vmem_shared>>
      %dma_start3A_74 = arith.constant 0 : i32
      %dma_start3A_75 = tpu.memref_slice %arg8[%add3A_32, %dma_start3A_74] : memref<10240x128xf32, #tpu.memory_space<vmem_shared>> -> memref<128x128xf32, #tpu.memory_space<vmem_shared>>
      %dma_start3A_76 = arith.constant 0 : i32
      %dma_start3A_77 = arith.constant 0 : i32
      %dma_start3A_78 = tpu.memref_slice %arg7[%run_scoped3A_33, %dma_start3A_76, %dma_start3A_77] : memref<2x128x128xf32, #tpu.memory_space<vmem>> -> memref<1x128x128xf32, #tpu.memory_space<vmem>>
      %dma_start3A_79 = tpu.memref_squeeze %dma_start3A_78 : memref<1x128x128xf32, #tpu.memory_space<vmem>> -> memref<128x128xf32, #tpu.memory_space<vmem>>
      tpu.enqueue_dma source(%dma_start3A_79 : memref<128x128xf32, #tpu.memory_space<vmem>>) target(%dma_start3A_75 : memref<128x128xf32, #tpu.memory_space<vmem_shared>>) target_semaphore(%run_scoped3A_67 : memref<!tpu.dma_semaphore, #tpu.memory_space<semaphore_mem>>)
      %dma_wait3A = arith.constant 0 : i32
      %dma_wait3A_80 = arith.constant 0 : i32
      %dma_wait3A_81 = tpu.memref_slice %arg7[%run_scoped3A_33, %dma_wait3A, %dma_wait3A_80] : memref<2x128x128xf32, #tpu.memory_space<vmem>> -> memref<1x128x128xf32, #tpu.memory_space<vmem>>
      %dma_wait3A_82 = tpu.memref_squeeze %dma_wait3A_81 : memref<1x128x128xf32, #tpu.memory_space<vmem>> -> memref<128x128xf32, #tpu.memory_space<vmem>>
      %dma_wait3A_83 = arith.constant 0 : i32
      %dma_wait3A_84 = tpu.memref_slice %arg8[%add3A_32, %dma_wait3A_83] : memref<10240x128xf32, #tpu.memory_space<vmem_shared>> -> memref<128x128xf32, #tpu.memory_space<vmem_shared>>
      %dma_wait3A_85 = arith.constant 0 : i32
      %dma_wait3A_86 = tpu.memref_slice %arg8[%add3A_32, %dma_wait3A_85] : memref<10240x128xf32, #tpu.memory_space<vmem_shared>> -> memref<128x128xf32, #tpu.memory_space<vmem_shared>>
      %dma_wait3A_87 = arith.constant 0 : i32
      %dma_wait3A_88 = arith.constant 0 : i32
      %dma_wait3A_89 = tpu.memref_slice %arg7[%run_scoped3A_33, %dma_wait3A_87, %dma_wait3A_88] : memref<2x128x128xf32, #tpu.memory_space<vmem>> -> memref<1x128x128xf32, #tpu.memory_space<vmem>>
      %dma_wait3A_90 = tpu.memref_squeeze %dma_wait3A_89 : memref<1x128x128xf32, #tpu.memory_space<vmem>> -> memref<128x128xf32, #tpu.memory_space<vmem>>
      tpu.wait_dma2 semaphore(%run_scoped3A_67 : memref<!tpu.dma_semaphore, #tpu.memory_space<semaphore_mem>>) src(%dma_wait3A_90 : memref<128x128xf32, #tpu.memory_space<vmem>>) dst(%dma_wait3A_86 : memref<128x128xf32, #tpu.memory_space<vmem_shared>>)
      tpu.yield
    }) : () -> ()
    %barrier3A = arith.constant 0 : index
    tpu.barrier barrier_id(%barrier3A)
    %add3A_34 = arith.constant 0 : i32
    %add3A_35 = arith.addi %mul3A_2, %add3A_34 : i32
    %run_scoped3A_36 = arith.constant 0 : i32
    "tpu.region"() ({
      %run_scoped3A_67 = tpu.sem_alloc : memref<!tpu.dma_semaphore, #tpu.memory_space<semaphore_mem>>
      %dma_start3A_68 = arith.constant 0 : i32
      %dma_start3A_69 = arith.constant 0 : i32
      %dma_start3A_70 = tpu.memref_slice %arg6[%run_scoped3A_36, %dma_start3A_68, %dma_start3A_69] : memref<2x2x128xi32, #tpu.memory_space<vmem>> -> memref<1x2x128xi32, #tpu.memory_space<vmem>>
      %dma_start3A_71 = tpu.memref_squeeze %dma_start3A_70 : memref<1x2x128xi32, #tpu.memory_space<vmem>> -> memref<2x128xi32, #tpu.memory_space<vmem>>
      %dma_start3A_72 = arith.constant 0 : i32
      %dma_start3A_73 = arith.constant 0 : i32
      %dma_start3A_74 = tpu.memref_slice %arg3[%add3A_35, %dma_start3A_72, %dma_start3A_73] : memref<2560x2x128xi32, #tpu.memory_space<hbm>> -> memref<1x2x128xi32, #tpu.memory_space<hbm>>
      %dma_start3A_75 = tpu.memref_squeeze %dma_start3A_74 : memref<1x2x128xi32, #tpu.memory_space<hbm>> -> memref<2x128xi32, #tpu.memory_space<hbm>>
      %dma_start3A_76 = arith.constant 0 : i32
      %dma_start3A_77 = arith.constant 0 : i32
      %dma_start3A_78 = tpu.memref_slice %arg6[%run_scoped3A_36, %dma_start3A_76, %dma_start3A_77] : memref<2x2x128xi32, #tpu.memory_space<vmem>> -> memref<1x2x128xi32, #tpu.memory_space<vmem>>
      %dma_start3A_79 = tpu.memref_squeeze %dma_start3A_78 : memref<1x2x128xi32, #tpu.memory_space<vmem>> -> memref<2x128xi32, #tpu.memory_space<vmem>>
      %dma_start3A_80 = arith.constant 0 : i32
      %dma_start3A_81 = arith.constant 0 : i32
      %dma_start3A_82 = tpu.memref_slice %arg3[%add3A_35, %dma_start3A_80, %dma_start3A_81] : memref<2560x2x128xi32, #tpu.memory_space<hbm>> -> memref<1x2x128xi32, #tpu.memory_space<hbm>>
      %dma_start3A_83 = tpu.memref_squeeze %dma_start3A_82 : memref<1x2x128xi32, #tpu.memory_space<hbm>> -> memref<2x128xi32, #tpu.memory_space<hbm>>
      tpu.enqueue_dma source(%dma_start3A_83 : memref<2x128xi32, #tpu.memory_space<hbm>>) target(%dma_start3A_79 : memref<2x128xi32, #tpu.memory_space<vmem>>) target_semaphore(%run_scoped3A_67 : memref<!tpu.dma_semaphore, #tpu.memory_space<semaphore_mem>>)
      %dma_wait3A = arith.constant 0 : i32
      %dma_wait3A_84 = arith.constant 0 : i32
      %dma_wait3A_85 = tpu.memref_slice %arg6[%run_scoped3A_36, %dma_wait3A, %dma_wait3A_84] : memref<2x2x128xi32, #tpu.memory_space<vmem>> -> memref<1x2x128xi32, #tpu.memory_space<vmem>>
      %dma_wait3A_86 = tpu.memref_squeeze %dma_wait3A_85 : memref<1x2x128xi32, #tpu.memory_space<vmem>> -> memref<2x128xi32, #tpu.memory_space<vmem>>
      %dma_wait3A_87 = arith.constant 0 : i32
      %dma_wait3A_88 = arith.constant 0 : i32
      %dma_wait3A_89 = tpu.memref_slice %arg3[%add3A_35, %dma_wait3A_87, %dma_wait3A_88] : memref<2560x2x128xi32, #tpu.memory_space<hbm>> -> memref<1x2x128xi32, #tpu.memory_space<hbm>>
      %dma_wait3A_90 = tpu.memref_squeeze %dma_wait3A_89 : memref<1x2x128xi32, #tpu.memory_space<hbm>> -> memref<2x128xi32, #tpu.memory_space<hbm>>
      %dma_wait3A_91 = arith.constant 0 : i32
      %dma_wait3A_92 = arith.constant 0 : i32
      %dma_wait3A_93 = tpu.memref_slice %arg6[%run_scoped3A_36, %dma_wait3A_91, %dma_wait3A_92] : memref<2x2x128xi32, #tpu.memory_space<vmem>> -> memref<1x2x128xi32, #tpu.memory_space<vmem>>
      %dma_wait3A_94 = tpu.memref_squeeze %dma_wait3A_93 : memref<1x2x128xi32, #tpu.memory_space<vmem>> -> memref<2x128xi32, #tpu.memory_space<vmem>>
      %dma_wait3A_95 = arith.constant 0 : i32
      %dma_wait3A_96 = arith.constant 0 : i32
      %dma_wait3A_97 = tpu.memref_slice %arg3[%add3A_35, %dma_wait3A_95, %dma_wait3A_96] : memref<2560x2x128xi32, #tpu.memory_space<hbm>> -> memref<1x2x128xi32, #tpu.memory_space<hbm>>
      %dma_wait3A_98 = tpu.memref_squeeze %dma_wait3A_97 : memref<1x2x128xi32, #tpu.memory_space<hbm>> -> memref<2x128xi32, #tpu.memory_space<hbm>>
      tpu.wait_dma2 semaphore(%run_scoped3A_67 : memref<!tpu.dma_semaphore, #tpu.memory_space<semaphore_mem>>) src(%dma_wait3A_98 : memref<2x128xi32, #tpu.memory_space<hbm>>) dst(%dma_wait3A_94 : memref<2x128xi32, #tpu.memory_space<vmem>>)
      tpu.yield
    }) : () -> ()
    %add3A_37 = arith.constant 1 : i32
    %add3A_38 = arith.addi %mul3A_2, %add3A_37 : i32
    %run_scoped3A_39 = arith.constant 1 : i32
    "tpu.region"() ({
      %run_scoped3A_67 = tpu.sem_alloc : memref<!tpu.dma_semaphore, #tpu.memory_space<semaphore_mem>>
      %dma_start3A_68 = arith.constant 0 : i32
      %dma_start3A_69 = arith.constant 0 : i32
      %dma_start3A_70 = tpu.memref_slice %arg6[%run_scoped3A_39, %dma_start3A_68, %dma_start3A_69] : memref<2x2x128xi32, #tpu.memory_space<vmem>> -> memref<1x2x128xi32, #tpu.memory_space<vmem>>
      %dma_start3A_71 = tpu.memref_squeeze %dma_start3A_70 : memref<1x2x128xi32, #tpu.memory_space<vmem>> -> memref<2x128xi32, #tpu.memory_space<vmem>>
      %dma_start3A_72 = arith.constant 0 : i32
      %dma_start3A_73 = arith.constant 0 : i32
      %dma_start3A_74 = tpu.memref_slice %arg3[%add3A_38, %dma_start3A_72, %dma_start3A_73] : memref<2560x2x128xi32, #tpu.memory_space<hbm>> -> memref<1x2x128xi32, #tpu.memory_space<hbm>>
      %dma_start3A_75 = tpu.memref_squeeze %dma_start3A_74 : memref<1x2x128xi32, #tpu.memory_space<hbm>> -> memref<2x128xi32, #tpu.memory_space<hbm>>
      %dma_start3A_76 = arith.constant 0 : i32
      %dma_start3A_77 = arith.constant 0 : i32
      %dma_start3A_78 = tpu.memref_slice %arg6[%run_scoped3A_39, %dma_start3A_76, %dma_start3A_77] : memref<2x2x128xi32, #tpu.memory_space<vmem>> -> memref<1x2x128xi32, #tpu.memory_space<vmem>>
      %dma_start3A_79 = tpu.memref_squeeze %dma_start3A_78 : memref<1x2x128xi32, #tpu.memory_space<vmem>> -> memref<2x128xi32, #tpu.memory_space<vmem>>
      %dma_start3A_80 = arith.constant 0 : i32
      %dma_start3A_81 = arith.constant 0 : i32
      %dma_start3A_82 = tpu.memref_slice %arg3[%add3A_38, %dma_start3A_80, %dma_start3A_81] : memref<2560x2x128xi32, #tpu.memory_space<hbm>> -> memref<1x2x128xi32, #tpu.memory_space<hbm>>
      %dma_start3A_83 = tpu.memref_squeeze %dma_start3A_82 : memref<1x2x128xi32, #tpu.memory_space<hbm>> -> memref<2x128xi32, #tpu.memory_space<hbm>>
      tpu.enqueue_dma source(%dma_start3A_83 : memref<2x128xi32, #tpu.memory_space<hbm>>) target(%dma_start3A_79 : memref<2x128xi32, #tpu.memory_space<vmem>>) target_semaphore(%run_scoped3A_67 : memref<!tpu.dma_semaphore, #tpu.memory_space<semaphore_mem>>)
      %dma_wait3A = arith.constant 0 : i32
      %dma_wait3A_84 = arith.constant 0 : i32
      %dma_wait3A_85 = tpu.memref_slice %arg6[%run_scoped3A_39, %dma_wait3A, %dma_wait3A_84] : memref<2x2x128xi32, #tpu.memory_space<vmem>> -> memref<1x2x128xi32, #tpu.memory_space<vmem>>
      %dma_wait3A_86 = tpu.memref_squeeze %dma_wait3A_85 : memref<1x2x128xi32, #tpu.memory_space<vmem>> -> memref<2x128xi32, #tpu.memory_space<vmem>>
      %dma_wait3A_87 = arith.constant 0 : i32
      %dma_wait3A_88 = arith.constant 0 : i32
      %dma_wait3A_89 = tpu.memref_slice %arg3[%add3A_38, %dma_wait3A_87, %dma_wait3A_88] : memref<2560x2x128xi32, #tpu.memory_space<hbm>> -> memref<1x2x128xi32, #tpu.memory_space<hbm>>
      %dma_wait3A_90 = tpu.memref_squeeze %dma_wait3A_89 : memref<1x2x128xi32, #tpu.memory_space<hbm>> -> memref<2x128xi32, #tpu.memory_space<hbm>>
      %dma_wait3A_91 = arith.constant 0 : i32
      %dma_wait3A_92 = arith.constant 0 : i32
      %dma_wait3A_93 = tpu.memref_slice %arg6[%run_scoped3A_39, %dma_wait3A_91, %dma_wait3A_92] : memref<2x2x128xi32, #tpu.memory_space<vmem>> -> memref<1x2x128xi32, #tpu.memory_space<vmem>>
      %dma_wait3A_94 = tpu.memref_squeeze %dma_wait3A_93 : memref<1x2x128xi32, #tpu.memory_space<vmem>> -> memref<2x128xi32, #tpu.memory_space<vmem>>
      %dma_wait3A_95 = arith.constant 0 : i32
      %dma_wait3A_96 = arith.constant 0 : i32
      %dma_wait3A_97 = tpu.memref_slice %arg3[%add3A_38, %dma_wait3A_95, %dma_wait3A_96] : memref<2560x2x128xi32, #tpu.memory_space<hbm>> -> memref<1x2x128xi32, #tpu.memory_space<hbm>>
      %dma_wait3A_98 = tpu.memref_squeeze %dma_wait3A_97 : memref<1x2x128xi32, #tpu.memory_space<hbm>> -> memref<2x128xi32, #tpu.memory_space<hbm>>
      tpu.wait_dma2 semaphore(%run_scoped3A_67 : memref<!tpu.dma_semaphore, #tpu.memory_space<semaphore_mem>>) src(%dma_wait3A_98 : memref<2x128xi32, #tpu.memory_space<hbm>>) dst(%dma_wait3A_94 : memref<2x128xi32, #tpu.memory_space<vmem>>)
      tpu.yield
    }) : () -> ()
    %dma_start3A = arith.constant 0 : i32
    %dma_start3A_40 = arith.constant 0 : i32
    %dma_start3A_41 = arith.constant 0 : i32
    %dma_start3A_42 = arith.constant 0 : i32
    %dma_start3A_43 = arith.constant 0 : i32
    %dma_start3A_44 = tpu.memref_slice %arg7[%dma_start3A_41, %dma_start3A_42, %dma_start3A_43] : memref<2x128x128xf32, #tpu.memory_space<vmem>> -> memref<1x128x128xf32, #tpu.memory_space<vmem>>
    %dma_start3A_45 = tpu.memref_squeeze %dma_start3A_44 : memref<1x128x128xf32, #tpu.memory_space<vmem>> -> memref<128x128xf32, #tpu.memory_space<vmem>>
    %dma_start3A_46 = arith.constant 0 : i32
    %dma_start3A_47 = tpu.memref_slice %arg6[%dma_start3A, %dma_start3A_40, %dma_start3A_46] : memref<2x2x128xi32, #tpu.memory_space<vmem>> -> memref<1x1x128xi32, #tpu.memory_space<vmem>>
    %dma_start3A_48 = tpu.memref_squeeze %dma_start3A_47 : memref<1x1x128xi32, #tpu.memory_space<vmem>> -> memref<128xi32, #tpu.memory_space<vmem>>
    %dma_start3A_49 = arith.constant 0 : i32
    %dma_start3A_50 = arith.constant 0 : i32
    %dma_start3A_51 = tpu.memref_slice %arg2[%dma_start3A_49, %dma_start3A_50] : memref<10000x128xf32, #tpu.memory_space<hbm>> -> memref<10000x128xf32, #tpu.memory_space<hbm>>
    tpu.enqueue_indirect_dma source(%dma_start3A_51 : memref<10000x128xf32, #tpu.memory_space<hbm>>) target(%dma_start3A_45 : memref<128x128xf32, #tpu.memory_space<vmem>>) offsets(%dma_start3A_48 : memref<128xi32, #tpu.memory_space<vmem>>) semaphore(%arg9 : memref<!tpu.dma_semaphore, #tpu.memory_space<semaphore_mem>>)
    %scan3A_52 = arith.constant 0 : i32
    %scan3A_53 = arith.constant 0 : i32
    %scan3A_54 = arith.constant 40 : i32
    %scan3A_55 = arith.addi %scan3A_53, %scan3A_54 : i32
    %scan3A_56 = arith.constant 1 : i32
    %scan3A_57 = scf.for %scan3A_67 = %scan3A_53 to %scan3A_55 step %scan3A_56 iter_args(%scan3A_68 = %scan3A_52) -> (i32)  : i32 {
      %mul3A_69 = arith.constant 2 : i32
      %mul3A_70 = arith.muli %mul3A_69, %scan3A_67 : i32
      %add3A_71 = arith.constant 1 : i32
      %add3A_72 = arith.addi %mul3A_70, %add3A_71 : i32
      %dma_start3A_73 = arith.constant 1 : i32
      %dma_start3A_74 = arith.constant 0 : i32
      %dma_start3A_75 = arith.constant 1 : i32
      %dma_start3A_76 = arith.constant 0 : i32
      %dma_start3A_77 = arith.constant 0 : i32
      %dma_start3A_78 = tpu.memref_slice %arg7[%dma_start3A_75, %dma_start3A_76, %dma_start3A_77] : memref<2x128x128xf32, #tpu.memory_space<vmem>> -> memref<1x128x128xf32, #tpu.memory_space<vmem>>
      %dma_start3A_79 = tpu.memref_squeeze %dma_start3A_78 : memref<1x128x128xf32, #tpu.memory_space<vmem>> -> memref<128x128xf32, #tpu.memory_space<vmem>>
      %dma_start3A_80 = arith.constant 0 : i32
      %dma_start3A_81 = tpu.memref_slice %arg6[%dma_start3A_73, %dma_start3A_74, %dma_start3A_80] : memref<2x2x128xi32, #tpu.memory_space<vmem>> -> memref<1x1x128xi32, #tpu.memory_space<vmem>>
      %dma_start3A_82 = tpu.memref_squeeze %dma_start3A_81 : memref<1x1x128xi32, #tpu.memory_space<vmem>> -> memref<128xi32, #tpu.memory_space<vmem>>
      %dma_start3A_83 = arith.constant 0 : i32
      %dma_start3A_84 = arith.constant 0 : i32
      %dma_start3A_85 = tpu.memref_slice %arg2[%dma_start3A_83, %dma_start3A_84] : memref<10000x128xf32, #tpu.memory_space<hbm>> -> memref<10000x128xf32, #tpu.memory_space<hbm>>
      tpu.enqueue_indirect_dma source(%dma_start3A_85 : memref<10000x128xf32, #tpu.memory_space<hbm>>) target(%dma_start3A_79 : memref<128x128xf32, #tpu.memory_space<vmem>>) offsets(%dma_start3A_82 : memref<128xi32, #tpu.memory_space<vmem>>) semaphore(%arg10 : memref<!tpu.dma_semaphore, #tpu.memory_space<semaphore_mem>>)
      %dma_wait3A = arith.constant 0 : i32
      %dma_wait3A_86 = arith.constant 0 : i32
      %dma_wait3A_87 = arith.constant 0 : i32
      %dma_wait3A_88 = arith.constant 0 : i32
      %dma_wait3A_89 = arith.constant 0 : i32
      %dma_wait3A_90 = tpu.memref_slice %arg7[%dma_wait3A_87, %dma_wait3A_88, %dma_wait3A_89] : memref<2x128x128xf32, #tpu.memory_space<vmem>> -> memref<1x128x128xf32, #tpu.memory_space<vmem>>
      %dma_wait3A_91 = tpu.memref_squeeze %dma_wait3A_90 : memref<1x128x128xf32, #tpu.memory_space<vmem>> -> memref<128x128xf32, #tpu.memory_space<vmem>>
      %dma_wait3A_92 = arith.constant 0 : i32
      %dma_wait3A_93 = tpu.memref_slice %arg6[%dma_wait3A, %dma_wait3A_86, %dma_wait3A_92] : memref<2x2x128xi32, #tpu.memory_space<vmem>> -> memref<1x1x128xi32, #tpu.memory_space<vmem>>
      %dma_wait3A_94 = tpu.memref_squeeze %dma_wait3A_93 : memref<1x1x128xi32, #tpu.memory_space<vmem>> -> memref<128xi32, #tpu.memory_space<vmem>>
      %dma_wait3A_95 = arith.constant 0 : i32
      %dma_wait3A_96 = arith.constant 0 : i32
      %dma_wait3A_97 = tpu.memref_slice %arg2[%dma_wait3A_95, %dma_wait3A_96] : memref<10000x128xf32, #tpu.memory_space<hbm>> -> memref<10000x128xf32, #tpu.memory_space<hbm>>
      tpu.wait_indirect_dma semaphore(%arg9 : memref<!tpu.dma_semaphore, #tpu.memory_space<semaphore_mem>>) src(%dma_wait3A_97 : memref<10000x128xf32, #tpu.memory_space<hbm>>) dst(%dma_wait3A_91 : memref<128x128xf32, #tpu.memory_space<vmem>>)
      %run_scoped3A_98 = arith.constant 0 : i32
      %run_scoped3A_99 = arith.constant 0 : i32
      %run_scoped3A_100 = arith.constant 1 : i32
      "tpu.region"() ({
        %run_scoped3A_135 = tpu.sem_alloc : memref<!tpu.dma_semaphore, #tpu.memory_space<semaphore_mem>>
        %dma_start3A_136 = arith.constant 0 : i32
        %dma_start3A_137 = arith.constant 0 : i32
        %dma_start3A_138 = tpu.memref_slice %arg7[%run_scoped3A_98, %dma_start3A_136, %dma_start3A_137] : memref<2x128x128xf32, #tpu.memory_space<vmem>> -> memref<1x128x128xf32, #tpu.memory_space<vmem>>
        %dma_start3A_139 = tpu.memref_squeeze %dma_start3A_138 : memref<1x128x128xf32, #tpu.memory_space<vmem>> -> memref<128x128xf32, #tpu.memory_space<vmem>>
        %dma_start3A_140 = arith.constant 0 : i32
        %dma_start3A_141 = tpu.memref_slice %arg6[%run_scoped3A_99, %run_scoped3A_100, %dma_start3A_140] : memref<2x2x128xi32, #tpu.memory_space<vmem>> -> memref<1x1x128xi32, #tpu.memory_space<vmem>>
        %dma_start3A_142 = tpu.memref_squeeze %dma_start3A_141 : memref<1x1x128xi32, #tpu.memory_space<vmem>> -> memref<128xi32, #tpu.memory_space<vmem>>
        %dma_start3A_143 = arith.constant 0 : i32
        %dma_start3A_144 = arith.constant 0 : i32
        %dma_start3A_145 = tpu.memref_slice %arg8[%dma_start3A_143, %dma_start3A_144] : memref<10240x128xf32, #tpu.memory_space<vmem_shared>> -> memref<10240x128xf32, #tpu.memory_space<vmem_shared>>
        tpu.enqueue_indirect_dma source(%dma_start3A_139 : memref<128x128xf32, #tpu.memory_space<vmem>>) target(%dma_start3A_145 : memref<10240x128xf32, #tpu.memory_space<vmem_shared>>) offsets(%dma_start3A_142 : memref<128xi32, #tpu.memory_space<vmem>>) semaphore(%run_scoped3A_135 : memref<!tpu.dma_semaphore, #tpu.memory_space<semaphore_mem>>) {add = true}
        %dma_wait3A_146 = arith.constant 0 : i32
        %dma_wait3A_147 = arith.constant 0 : i32
        %dma_wait3A_148 = tpu.memref_slice %arg7[%run_scoped3A_98, %dma_wait3A_146, %dma_wait3A_147] : memref<2x128x128xf32, #tpu.memory_space<vmem>> -> memref<1x128x128xf32, #tpu.memory_space<vmem>>
        %dma_wait3A_149 = tpu.memref_squeeze %dma_wait3A_148 : memref<1x128x128xf32, #tpu.memory_space<vmem>> -> memref<128x128xf32, #tpu.memory_space<vmem>>
        %dma_wait3A_150 = arith.constant 0 : i32
        %dma_wait3A_151 = tpu.memref_slice %arg6[%run_scoped3A_99, %run_scoped3A_100, %dma_wait3A_150] : memref<2x2x128xi32, #tpu.memory_space<vmem>> -> memref<1x1x128xi32, #tpu.memory_space<vmem>>
        %dma_wait3A_152 = tpu.memref_squeeze %dma_wait3A_151 : memref<1x1x128xi32, #tpu.memory_space<vmem>> -> memref<128xi32, #tpu.memory_space<vmem>>
        %dma_wait3A_153 = arith.constant 0 : i32
        %dma_wait3A_154 = arith.constant 0 : i32
        %dma_wait3A_155 = tpu.memref_slice %arg8[%dma_wait3A_153, %dma_wait3A_154] : memref<10240x128xf32, #tpu.memory_space<vmem_shared>> -> memref<10240x128xf32, #tpu.memory_space<vmem_shared>>
        tpu.wait_indirect_dma semaphore(%run_scoped3A_135 : memref<!tpu.dma_semaphore, #tpu.memory_space<semaphore_mem>>) src(%dma_wait3A_149 : memref<128x128xf32, #tpu.memory_space<vmem>>) dst(%dma_wait3A_155 : memref<10240x128xf32, #tpu.memory_space<vmem_shared>>)
        tpu.yield
      }) : () -> ()
      %add3A_101 = arith.constant 1 : i32
      %add3A_102 = arith.addi %scan3A_67, %add3A_101 : i32
      %lt3A = arith.constant 40 : i32
      %lt3A_103 = arith.cmpi slt, %add3A_102, %lt3A : i32
      %convert_element_type3A_104 = arith.extui %lt3A_103 : i1 to i32
      %cond3A_105 = arith.constant 0 : i32
      %cond3A_106 = arith.cmpi ne, %convert_element_type3A_104, %cond3A_105 : i32
      scf.if %cond3A_106 {
        %add3A_135 = arith.constant 2 : i32
        %add3A_136 = arith.addi %mul3A_70, %add3A_135 : i32
        %add3A_137 = arith.addi %mul3A_2, %add3A_136 : i32
        %run_scoped3A_138 = arith.constant 0 : i32
        "tpu.region"() ({
          %run_scoped3A_154 = tpu.sem_alloc : memref<!tpu.dma_semaphore, #tpu.memory_space<semaphore_mem>>
          %dma_start3A_155 = arith.constant 0 : i32
          %dma_start3A_156 = arith.constant 0 : i32
          %dma_start3A_157 = tpu.memref_slice %arg6[%run_scoped3A_138, %dma_start3A_155, %dma_start3A_156] : memref<2x2x128xi32, #tpu.memory_space<vmem>> -> memref<1x2x128xi32, #tpu.memory_space<vmem>>
          %dma_start3A_158 = tpu.memref_squeeze %dma_start3A_157 : memref<1x2x128xi32, #tpu.memory_space<vmem>> -> memref<2x128xi32, #tpu.memory_space<vmem>>
          %dma_start3A_159 = arith.constant 0 : i32
          %dma_start3A_160 = arith.constant 0 : i32
          %dma_start3A_161 = tpu.memref_slice %arg3[%add3A_137, %dma_start3A_159, %dma_start3A_160] : memref<2560x2x128xi32, #tpu.memory_space<hbm>> -> memref<1x2x128xi32, #tpu.memory_space<hbm>>
          %dma_start3A_162 = tpu.memref_squeeze %dma_start3A_161 : memref<1x2x128xi32, #tpu.memory_space<hbm>> -> memref<2x128xi32, #tpu.memory_space<hbm>>
          %dma_start3A_163 = arith.constant 0 : i32
          %dma_start3A_164 = arith.constant 0 : i32
          %dma_start3A_165 = tpu.memref_slice %arg6[%run_scoped3A_138, %dma_start3A_163, %dma_start3A_164] : memref<2x2x128xi32, #tpu.memory_space<vmem>> -> memref<1x2x128xi32, #tpu.memory_space<vmem>>
          %dma_start3A_166 = tpu.memref_squeeze %dma_start3A_165 : memref<1x2x128xi32, #tpu.memory_space<vmem>> -> memref<2x128xi32, #tpu.memory_space<vmem>>
          %dma_start3A_167 = arith.constant 0 : i32
          %dma_start3A_168 = arith.constant 0 : i32
          %dma_start3A_169 = tpu.memref_slice %arg3[%add3A_137, %dma_start3A_167, %dma_start3A_168] : memref<2560x2x128xi32, #tpu.memory_space<hbm>> -> memref<1x2x128xi32, #tpu.memory_space<hbm>>
          %dma_start3A_170 = tpu.memref_squeeze %dma_start3A_169 : memref<1x2x128xi32, #tpu.memory_space<hbm>> -> memref<2x128xi32, #tpu.memory_space<hbm>>
          tpu.enqueue_dma source(%dma_start3A_170 : memref<2x128xi32, #tpu.memory_space<hbm>>) target(%dma_start3A_166 : memref<2x128xi32, #tpu.memory_space<vmem>>) target_semaphore(%run_scoped3A_154 : memref<!tpu.dma_semaphore, #tpu.memory_space<semaphore_mem>>)
          %dma_wait3A_171 = arith.constant 0 : i32
          %dma_wait3A_172 = arith.constant 0 : i32
          %dma_wait3A_173 = tpu.memref_slice %arg6[%run_scoped3A_138, %dma_wait3A_171, %dma_wait3A_172] : memref<2x2x128xi32, #tpu.memory_space<vmem>> -> memref<1x2x128xi32, #tpu.memory_space<vmem>>
          %dma_wait3A_174 = tpu.memref_squeeze %dma_wait3A_173 : memref<1x2x128xi32, #tpu.memory_space<vmem>> -> memref<2x128xi32, #tpu.memory_space<vmem>>
          %dma_wait3A_175 = arith.constant 0 : i32
          %dma_wait3A_176 = arith.constant 0 : i32
          %dma_wait3A_177 = tpu.memref_slice %arg3[%add3A_137, %dma_wait3A_175, %dma_wait3A_176] : memref<2560x2x128xi32, #tpu.memory_space<hbm>> -> memref<1x2x128xi32, #tpu.memory_space<hbm>>
          %dma_wait3A_178 = tpu.memref_squeeze %dma_wait3A_177 : memref<1x2x128xi32, #tpu.memory_space<hbm>> -> memref<2x128xi32, #tpu.memory_space<hbm>>
          %dma_wait3A_179 = arith.constant 0 : i32
          %dma_wait3A_180 = arith.constant 0 : i32
          %dma_wait3A_181 = tpu.memref_slice %arg6[%run_scoped3A_138, %dma_wait3A_179, %dma_wait3A_180] : memref<2x2x128xi32, #tpu.memory_space<vmem>> -> memref<1x2x128xi32, #tpu.memory_space<vmem>>
          %dma_wait3A_182 = tpu.memref_squeeze %dma_wait3A_181 : memref<1x2x128xi32, #tpu.memory_space<vmem>> -> memref<2x128xi32, #tpu.memory_space<vmem>>
          %dma_wait3A_183 = arith.constant 0 : i32
          %dma_wait3A_184 = arith.constant 0 : i32
          %dma_wait3A_185 = tpu.memref_slice %arg3[%add3A_137, %dma_wait3A_183, %dma_wait3A_184] : memref<2560x2x128xi32, #tpu.memory_space<hbm>> -> memref<1x2x128xi32, #tpu.memory_space<hbm>>
          %dma_wait3A_186 = tpu.memref_squeeze %dma_wait3A_185 : memref<1x2x128xi32, #tpu.memory_space<hbm>> -> memref<2x128xi32, #tpu.memory_space<hbm>>
          tpu.wait_dma2 semaphore(%run_scoped3A_154 : memref<!tpu.dma_semaphore, #tpu.memory_space<semaphore_mem>>) src(%dma_wait3A_186 : memref<2x128xi32, #tpu.memory_space<hbm>>) dst(%dma_wait3A_182 : memref<2x128xi32, #tpu.memory_space<vmem>>)
          tpu.yield
        }) : () -> ()
        %add3A_139 = arith.constant 2 : i32
        %add3A_140 = arith.addi %mul3A_70, %add3A_139 : i32
        %dma_start3A_141 = arith.constant 0 : i32
        %dma_start3A_142 = arith.constant 0 : i32
        %dma_start3A_143 = arith.constant 0 : i32
        %dma_start3A_144 = arith.constant 0 : i32
        %dma_start3A_145 = arith.constant 0 : i32
        %dma_start3A_146 = tpu.memref_slice %arg7[%dma_start3A_143, %dma_start3A_144, %dma_start3A_145] : memref<2x128x128xf32, #tpu.memory_space<vmem>> -> memref<1x128x128xf32, #tpu.memory_space<vmem>>
        %dma_start3A_147 = tpu.memref_squeeze %dma_start3A_146 : memref<1x128x128xf32, #tpu.memory_space<vmem>> -> memref<128x128xf32, #tpu.memory_space<vmem>>
        %dma_start3A_148 = arith.constant 0 : i32
        %dma_start3A_149 = tpu.memref_slice %arg6[%dma_start3A_141, %dma_start3A_142, %dma_start3A_148] : memref<2x2x128xi32, #tpu.memory_space<vmem>> -> memref<1x1x128xi32, #tpu.memory_space<vmem>>
        %dma_start3A_150 = tpu.memref_squeeze %dma_start3A_149 : memref<1x1x128xi32, #tpu.memory_space<vmem>> -> memref<128xi32, #tpu.memory_space<vmem>>
        %dma_start3A_151 = arith.constant 0 : i32
        %dma_start3A_152 = arith.constant 0 : i32
        %dma_start3A_153 = tpu.memref_slice %arg2[%dma_start3A_151, %dma_start3A_152] : memref<10000x128xf32, #tpu.memory_space<hbm>> -> memref<10000x128xf32, #tpu.memory_space<hbm>>
        tpu.enqueue_indirect_dma source(%dma_start3A_153 : memref<10000x128xf32, #tpu.memory_space<hbm>>) target(%dma_start3A_147 : memref<128x128xf32, #tpu.memory_space<vmem>>) offsets(%dma_start3A_150 : memref<128xi32, #tpu.memory_space<vmem>>) semaphore(%arg9 : memref<!tpu.dma_semaphore, #tpu.memory_space<semaphore_mem>>)
      } else {
      }
      %add3A_107 = arith.constant 1 : i32
      %add3A_108 = arith.addi %mul3A_70, %add3A_107 : i32
      %dma_wait3A_109 = arith.constant 1 : i32
      %dma_wait3A_110 = arith.constant 0 : i32
      %dma_wait3A_111 = arith.constant 1 : i32
      %dma_wait3A_112 = arith.constant 0 : i32
      %dma_wait3A_113 = arith.constant 0 : i32
      %dma_wait3A_114 = tpu.memref_slice %arg7[%dma_wait3A_111, %dma_wait3A_112, %dma_wait3A_113] : memref<2x128x128xf32, #tpu.memory_space<vmem>> -> memref<1x128x128xf32, #tpu.memory_space<vmem>>
      %dma_wait3A_115 = tpu.memref_squeeze %dma_wait3A_114 : memref<1x128x128xf32, #tpu.memory_space<vmem>> -> memref<128x128xf32, #tpu.memory_space<vmem>>
      %dma_wait3A_116 = arith.constant 0 : i32
      %dma_wait3A_117 = tpu.memref_slice %arg6[%dma_wait3A_109, %dma_wait3A_110, %dma_wait3A_116] : memref<2x2x128xi32, #tpu.memory_space<vmem>> -> memref<1x1x128xi32, #tpu.memory_space<vmem>>
      %dma_wait3A_118 = tpu.memref_squeeze %dma_wait3A_117 : memref<1x1x128xi32, #tpu.memory_space<vmem>> -> memref<128xi32, #tpu.memory_space<vmem>>
      %dma_wait3A_119 = arith.constant 0 : i32
      %dma_wait3A_120 = arith.constant 0 : i32
      %dma_wait3A_121 = tpu.memref_slice %arg2[%dma_wait3A_119, %dma_wait3A_120] : memref<10000x128xf32, #tpu.memory_space<hbm>> -> memref<10000x128xf32, #tpu.memory_space<hbm>>
      tpu.wait_indirect_dma semaphore(%arg10 : memref<!tpu.dma_semaphore, #tpu.memory_space<semaphore_mem>>) src(%dma_wait3A_121 : memref<10000x128xf32, #tpu.memory_space<hbm>>) dst(%dma_wait3A_115 : memref<128x128xf32, #tpu.memory_space<vmem>>)
      %add3A_122 = arith.constant 1 : i32
      %add3A_123 = arith.addi %mul3A_70, %add3A_122 : i32
      %run_scoped3A_124 = arith.constant 1 : i32
      %run_scoped3A_125 = arith.constant 1 : i32
      %run_scoped3A_126 = arith.constant 1 : i32
      "tpu.region"() ({
        %run_scoped3A_135 = tpu.sem_alloc : memref<!tpu.dma_semaphore, #tpu.memory_space<semaphore_mem>>
        %dma_start3A_136 = arith.constant 0 : i32
        %dma_start3A_137 = arith.constant 0 : i32
        %dma_start3A_138 = tpu.memref_slice %arg7[%run_scoped3A_124, %dma_start3A_136, %dma_start3A_137] : memref<2x128x128xf32, #tpu.memory_space<vmem>> -> memref<1x128x128xf32, #tpu.memory_space<vmem>>
        %dma_start3A_139 = tpu.memref_squeeze %dma_start3A_138 : memref<1x128x128xf32, #tpu.memory_space<vmem>> -> memref<128x128xf32, #tpu.memory_space<vmem>>
        %dma_start3A_140 = arith.constant 0 : i32
        %dma_start3A_141 = tpu.memref_slice %arg6[%run_scoped3A_125, %run_scoped3A_126, %dma_start3A_140] : memref<2x2x128xi32, #tpu.memory_space<vmem>> -> memref<1x1x128xi32, #tpu.memory_space<vmem>>
        %dma_start3A_142 = tpu.memref_squeeze %dma_start3A_141 : memref<1x1x128xi32, #tpu.memory_space<vmem>> -> memref<128xi32, #tpu.memory_space<vmem>>
        %dma_start3A_143 = arith.constant 0 : i32
        %dma_start3A_144 = arith.constant 0 : i32
        %dma_start3A_145 = tpu.memref_slice %arg8[%dma_start3A_143, %dma_start3A_144] : memref<10240x128xf32, #tpu.memory_space<vmem_shared>> -> memref<10240x128xf32, #tpu.memory_space<vmem_shared>>
        tpu.enqueue_indirect_dma source(%dma_start3A_139 : memref<128x128xf32, #tpu.memory_space<vmem>>) target(%dma_start3A_145 : memref<10240x128xf32, #tpu.memory_space<vmem_shared>>) offsets(%dma_start3A_142 : memref<128xi32, #tpu.memory_space<vmem>>) semaphore(%run_scoped3A_135 : memref<!tpu.dma_semaphore, #tpu.memory_space<semaphore_mem>>) {add = true}
        %dma_wait3A_146 = arith.constant 0 : i32
        %dma_wait3A_147 = arith.constant 0 : i32
        %dma_wait3A_148 = tpu.memref_slice %arg7[%run_scoped3A_124, %dma_wait3A_146, %dma_wait3A_147] : memref<2x128x128xf32, #tpu.memory_space<vmem>> -> memref<1x128x128xf32, #tpu.memory_space<vmem>>
        %dma_wait3A_149 = tpu.memref_squeeze %dma_wait3A_148 : memref<1x128x128xf32, #tpu.memory_space<vmem>> -> memref<128x128xf32, #tpu.memory_space<vmem>>
        %dma_wait3A_150 = arith.constant 0 : i32
        %dma_wait3A_151 = tpu.memref_slice %arg6[%run_scoped3A_125, %run_scoped3A_126, %dma_wait3A_150] : memref<2x2x128xi32, #tpu.memory_space<vmem>> -> memref<1x1x128xi32, #tpu.memory_space<vmem>>
        %dma_wait3A_152 = tpu.memref_squeeze %dma_wait3A_151 : memref<1x1x128xi32, #tpu.memory_space<vmem>> -> memref<128xi32, #tpu.memory_space<vmem>>
        %dma_wait3A_153 = arith.constant 0 : i32
        %dma_wait3A_154 = arith.constant 0 : i32
        %dma_wait3A_155 = tpu.memref_slice %arg8[%dma_wait3A_153, %dma_wait3A_154] : memref<10240x128xf32, #tpu.memory_space<vmem_shared>> -> memref<10240x128xf32, #tpu.memory_space<vmem_shared>>
        tpu.wait_indirect_dma semaphore(%run_scoped3A_135 : memref<!tpu.dma_semaphore, #tpu.memory_space<semaphore_mem>>) src(%dma_wait3A_149 : memref<128x128xf32, #tpu.memory_space<vmem>>) dst(%dma_wait3A_155 : memref<10240x128xf32, #tpu.memory_space<vmem_shared>>)
        tpu.yield
      }) : () -> ()
      %add3A_127 = arith.constant 1 : i32
      %add3A_128 = arith.addi %scan3A_67, %add3A_127 : i32
      %lt3A_129 = arith.constant 40 : i32
      %lt3A_130 = arith.cmpi slt, %add3A_128, %lt3A_129 : i32
      %convert_element_type3A_131 = arith.extui %lt3A_130 : i1 to i32
      %cond3A_132 = arith.constant 0 : i32
      %cond3A_133 = arith.cmpi ne, %convert_element_type3A_131, %cond3A_132 : i32
      scf.if %cond3A_133 {
        %add3A_135 = arith.constant 3 : i32
        %add3A_136 = arith.addi %mul3A_70, %add3A_135 : i32
        %add3A_137 = arith.addi %mul3A_2, %add3A_136 : i32
        %run_scoped3A_138 = arith.constant 1 : i32
        "tpu.region"() ({
          %run_scoped3A_139 = tpu.sem_alloc : memref<!tpu.dma_semaphore, #tpu.memory_space<semaphore_mem>>
          %dma_start3A_140 = arith.constant 0 : i32
          %dma_start3A_141 = arith.constant 0 : i32
          %dma_start3A_142 = tpu.memref_slice %arg6[%run_scoped3A_138, %dma_start3A_140, %dma_start3A_141] : memref<2x2x128xi32, #tpu.memory_space<vmem>> -> memref<1x2x128xi32, #tpu.memory_space<vmem>>
          %dma_start3A_143 = tpu.memref_squeeze %dma_start3A_142 : memref<1x2x128xi32, #tpu.memory_space<vmem>> -> memref<2x128xi32, #tpu.memory_space<vmem>>
          %dma_start3A_144 = arith.constant 0 : i32
          %dma_start3A_145 = arith.constant 0 : i32
          %dma_start3A_146 = tpu.memref_slice %arg3[%add3A_137, %dma_start3A_144, %dma_start3A_145] : memref<2560x2x128xi32, #tpu.memory_space<hbm>> -> memref<1x2x128xi32, #tpu.memory_space<hbm>>
          %dma_start3A_147 = tpu.memref_squeeze %dma_start3A_146 : memref<1x2x128xi32, #tpu.memory_space<hbm>> -> memref<2x128xi32, #tpu.memory_space<hbm>>
          %dma_start3A_148 = arith.constant 0 : i32
          %dma_start3A_149 = arith.constant 0 : i32
          %dma_start3A_150 = tpu.memref_slice %arg6[%run_scoped3A_138, %dma_start3A_148, %dma_start3A_149] : memref<2x2x128xi32, #tpu.memory_space<vmem>> -> memref<1x2x128xi32, #tpu.memory_space<vmem>>
          %dma_start3A_151 = tpu.memref_squeeze %dma_start3A_150 : memref<1x2x128xi32, #tpu.memory_space<vmem>> -> memref<2x128xi32, #tpu.memory_space<vmem>>
          %dma_start3A_152 = arith.constant 0 : i32
          %dma_start3A_153 = arith.constant 0 : i32
          %dma_start3A_154 = tpu.memref_slice %arg3[%add3A_137, %dma_start3A_152, %dma_start3A_153] : memref<2560x2x128xi32, #tpu.memory_space<hbm>> -> memref<1x2x128xi32, #tpu.memory_space<hbm>>
          %dma_start3A_155 = tpu.memref_squeeze %dma_start3A_154 : memref<1x2x128xi32, #tpu.memory_space<hbm>> -> memref<2x128xi32, #tpu.memory_space<hbm>>
          tpu.enqueue_dma source(%dma_start3A_155 : memref<2x128xi32, #tpu.memory_space<hbm>>) target(%dma_start3A_151 : memref<2x128xi32, #tpu.memory_space<vmem>>) target_semaphore(%run_scoped3A_139 : memref<!tpu.dma_semaphore, #tpu.memory_space<semaphore_mem>>)
          %dma_wait3A_156 = arith.constant 0 : i32
          %dma_wait3A_157 = arith.constant 0 : i32
          %dma_wait3A_158 = tpu.memref_slice %arg6[%run_scoped3A_138, %dma_wait3A_156, %dma_wait3A_157] : memref<2x2x128xi32, #tpu.memory_space<vmem>> -> memref<1x2x128xi32, #tpu.memory_space<vmem>>
          %dma_wait3A_159 = tpu.memref_squeeze %dma_wait3A_158 : memref<1x2x128xi32, #tpu.memory_space<vmem>> -> memref<2x128xi32, #tpu.memory_space<vmem>>
          %dma_wait3A_160 = arith.constant 0 : i32
          %dma_wait3A_161 = arith.constant 0 : i32
          %dma_wait3A_162 = tpu.memref_slice %arg3[%add3A_137, %dma_wait3A_160, %dma_wait3A_161] : memref<2560x2x128xi32, #tpu.memory_space<hbm>> -> memref<1x2x128xi32, #tpu.memory_space<hbm>>
          %dma_wait3A_163 = tpu.memref_squeeze %dma_wait3A_162 : memref<1x2x128xi32, #tpu.memory_space<hbm>> -> memref<2x128xi32, #tpu.memory_space<hbm>>
          %dma_wait3A_164 = arith.constant 0 : i32
          %dma_wait3A_165 = arith.constant 0 : i32
          %dma_wait3A_166 = tpu.memref_slice %arg6[%run_scoped3A_138, %dma_wait3A_164, %dma_wait3A_165] : memref<2x2x128xi32, #tpu.memory_space<vmem>> -> memref<1x2x128xi32, #tpu.memory_space<vmem>>
          %dma_wait3A_167 = tpu.memref_squeeze %dma_wait3A_166 : memref<1x2x128xi32, #tpu.memory_space<vmem>> -> memref<2x128xi32, #tpu.memory_space<vmem>>
          %dma_wait3A_168 = arith.constant 0 : i32
          %dma_wait3A_169 = arith.constant 0 : i32
          %dma_wait3A_170 = tpu.memref_slice %arg3[%add3A_137, %dma_wait3A_168, %dma_wait3A_169] : memref<2560x2x128xi32, #tpu.memory_space<hbm>> -> memref<1x2x128xi32, #tpu.memory_space<hbm>>
          %dma_wait3A_171 = tpu.memref_squeeze %dma_wait3A_170 : memref<1x2x128xi32, #tpu.memory_space<hbm>> -> memref<2x128xi32, #tpu.memory_space<hbm>>
          tpu.wait_dma2 semaphore(%run_scoped3A_139 : memref<!tpu.dma_semaphore, #tpu.memory_space<semaphore_mem>>) src(%dma_wait3A_171 : memref<2x128xi32, #tpu.memory_space<hbm>>) dst(%dma_wait3A_167 : memref<2x128xi32, #tpu.memory_space<vmem>>)
          tpu.yield
        }) : () -> ()
      } else {
      }
      %scan3A_134 = arith.constant 0 : i32
      scf.yield %scan3A_134 : i32
    }
    %scan3A_58 = arith.constant 40 : i32
    %barrier3A_59 = arith.constant 0 : index
    tpu.barrier barrier_id(%barrier3A_59)
    %eq3A = arith.constant 0 : i32
    %eq3A_60 = arith.cmpi eq, %arg0, %eq3A : i32
    %convert_element_type3A = arith.extui %eq3A_60 : i1 to i32
    %cond3A = arith.constant 0 : i32
    %cond3A_61 = arith.cmpi ne, %convert_element_type3A, %cond3A : i32
    scf.if %cond3A_61 {
      %mul3A_67 = arith.constant 640 : i32
      %mul3A_68 = arith.muli %arg1, %mul3A_67 : i32
      %add3A_69 = arith.constant 0 : i32
      %add3A_70 = arith.addi %mul3A_68, %add3A_69 : i32
      %run_scoped3A_71 = arith.constant 0 : i32
      "tpu.region"() ({
        %run_scoped3A_97 = tpu.sem_alloc : memref<!tpu.dma_semaphore, #tpu.memory_space<semaphore_mem>>
        %dma_start3A_98 = arith.constant 0 : i32
        %dma_start3A_99 = arith.constant 0 : i32
        %dma_start3A_100 = tpu.memref_slice %arg7[%run_scoped3A_71, %dma_start3A_98, %dma_start3A_99] : memref<2x128x128xf32, #tpu.memory_space<vmem>> -> memref<1x128x128xf32, #tpu.memory_space<vmem>>
        %dma_start3A_101 = tpu.memref_squeeze %dma_start3A_100 : memref<1x128x128xf32, #tpu.memory_space<vmem>> -> memref<128x128xf32, #tpu.memory_space<vmem>>
        %dma_start3A_102 = arith.constant 0 : i32
        %dma_start3A_103 = tpu.memref_slice %arg8[%add3A_70, %dma_start3A_102] : memref<10240x128xf32, #tpu.memory_space<vmem_shared>> -> memref<128x128xf32, #tpu.memory_space<vmem_shared>>
        %dma_start3A_104 = arith.constant 0 : i32
        %dma_start3A_105 = arith.constant 0 : i32
        %dma_start3A_106 = tpu.memref_slice %arg7[%run_scoped3A_71, %dma_start3A_104, %dma_start3A_105] : memref<2x128x128xf32, #tpu.memory_space<vmem>> -> memref<1x128x128xf32, #tpu.memory_space<vmem>>
        %dma_start3A_107 = tpu.memref_squeeze %dma_start3A_106 : memref<1x128x128xf32, #tpu.memory_space<vmem>> -> memref<128x128xf32, #tpu.memory_space<vmem>>
        %dma_start3A_108 = arith.constant 0 : i32
        %dma_start3A_109 = tpu.memref_slice %arg8[%add3A_70, %dma_start3A_108] : memref<10240x128xf32, #tpu.memory_space<vmem_shared>> -> memref<128x128xf32, #tpu.memory_space<vmem_shared>>
        tpu.enqueue_dma source(%dma_start3A_109 : memref<128x128xf32, #tpu.memory_space<vmem_shared>>) target(%dma_start3A_107 : memref<128x128xf32, #tpu.memory_space<vmem>>) target_semaphore(%run_scoped3A_97 : memref<!tpu.dma_semaphore, #tpu.memory_space<semaphore_mem>>)
        %dma_wait3A = arith.constant 0 : i32
        %dma_wait3A_110 = arith.constant 0 : i32
        %dma_wait3A_111 = tpu.memref_slice %arg7[%run_scoped3A_71, %dma_wait3A, %dma_wait3A_110] : memref<2x128x128xf32, #tpu.memory_space<vmem>> -> memref<1x128x128xf32, #tpu.memory_space<vmem>>
        %dma_wait3A_112 = tpu.memref_squeeze %dma_wait3A_111 : memref<1x128x128xf32, #tpu.memory_space<vmem>> -> memref<128x128xf32, #tpu.memory_space<vmem>>
        %dma_wait3A_113 = arith.constant 0 : i32
        %dma_wait3A_114 = tpu.memref_slice %arg8[%add3A_70, %dma_wait3A_113] : memref<10240x128xf32, #tpu.memory_space<vmem_shared>> -> memref<128x128xf32, #tpu.memory_space<vmem_shared>>
        %dma_wait3A_115 = arith.constant 0 : i32
        %dma_wait3A_116 = arith.constant 0 : i32
        %dma_wait3A_117 = tpu.memref_slice %arg7[%run_scoped3A_71, %dma_wait3A_115, %dma_wait3A_116] : memref<2x128x128xf32, #tpu.memory_space<vmem>> -> memref<1x128x128xf32, #tpu.memory_space<vmem>>
        %dma_wait3A_118 = tpu.memref_squeeze %dma_wait3A_117 : memref<1x128x128xf32, #tpu.memory_space<vmem>> -> memref<128x128xf32, #tpu.memory_space<vmem>>
        %dma_wait3A_119 = arith.constant 0 : i32
        %dma_wait3A_120 = tpu.memref_slice %arg8[%add3A_70, %dma_wait3A_119] : memref<10240x128xf32, #tpu.memory_space<vmem_shared>> -> memref<128x128xf32, #tpu.memory_space<vmem_shared>>
        tpu.wait_dma2 semaphore(%run_scoped3A_97 : memref<!tpu.dma_semaphore, #tpu.memory_space<semaphore_mem>>) src(%dma_wait3A_120 : memref<128x128xf32, #tpu.memory_space<vmem_shared>>) dst(%dma_wait3A_118 : memref<128x128xf32, #tpu.memory_space<vmem>>)
        tpu.yield
      }) : () -> ()
      %run_scoped3A_72 = arith.constant 0 : i32
      "tpu.region"() ({
        %run_scoped3A_97 = tpu.sem_alloc : memref<!tpu.dma_semaphore, #tpu.memory_space<semaphore_mem>>
        %dma_start3A_98 = arith.constant 0 : i32
        %dma_start3A_99 = arith.constant 0 : i32
        %dma_start3A_100 = tpu.memref_slice %arg7[%run_scoped3A_72, %dma_start3A_98, %dma_start3A_99] : memref<2x128x128xf32, #tpu.memory_space<vmem>> -> memref<1x128x128xf32, #tpu.memory_space<vmem>>
        %dma_start3A_101 = tpu.memref_squeeze %dma_start3A_100 : memref<1x128x128xf32, #tpu.memory_space<vmem>> -> memref<128x128xf32, #tpu.memory_space<vmem>>
        %dma_start3A_102 = arith.constant 0 : i32
        %dma_start3A_103 = tpu.memref_slice %arg4[%add3A_70, %dma_start3A_102] : memref<10240x128xf32, #tpu.memory_space<hbm>> -> memref<128x128xf32, #tpu.memory_space<hbm>>
        %dma_start3A_104 = arith.constant 0 : i32
        %dma_start3A_105 = tpu.memref_slice %arg4[%add3A_70, %dma_start3A_104] : memref<10240x128xf32, #tpu.memory_space<hbm>> -> memref<128x128xf32, #tpu.memory_space<hbm>>
        %dma_start3A_106 = arith.constant 0 : i32
        %dma_start3A_107 = arith.constant 0 : i32
        %dma_start3A_108 = tpu.memref_slice %arg7[%run_scoped3A_72, %dma_start3A_106, %dma_start3A_107] : memref<2x128x128xf32, #tpu.memory_space<vmem>> -> memref<1x128x128xf32, #tpu.memory_space<vmem>>
        %dma_start3A_109 = tpu.memref_squeeze %dma_start3A_108 : memref<1x128x128xf32, #tpu.memory_space<vmem>> -> memref<128x128xf32, #tpu.memory_space<vmem>>
        tpu.enqueue_dma source(%dma_start3A_109 : memref<128x128xf32, #tpu.memory_space<vmem>>) target(%dma_start3A_105 : memref<128x128xf32, #tpu.memory_space<hbm>>) target_semaphore(%run_scoped3A_97 : memref<!tpu.dma_semaphore, #tpu.memory_space<semaphore_mem>>)
        %dma_wait3A = arith.constant 0 : i32
        %dma_wait3A_110 = arith.constant 0 : i32
        %dma_wait3A_111 = tpu.memref_slice %arg7[%run_scoped3A_72, %dma_wait3A, %dma_wait3A_110] : memref<2x128x128xf32, #tpu.memory_space<vmem>> -> memref<1x128x128xf32, #tpu.memory_space<vmem>>
        %dma_wait3A_112 = tpu.memref_squeeze %dma_wait3A_111 : memref<1x128x128xf32, #tpu.memory_space<vmem>> -> memref<128x128xf32, #tpu.memory_space<vmem>>
        %dma_wait3A_113 = arith.constant 0 : i32
        %dma_wait3A_114 = tpu.memref_slice %arg4[%add3A_70, %dma_wait3A_113] : memref<10240x128xf32, #tpu.memory_space<hbm>> -> memref<128x128xf32, #tpu.memory_space<hbm>>
        %dma_wait3A_115 = arith.constant 0 : i32
        %dma_wait3A_116 = tpu.memref_slice %arg4[%add3A_70, %dma_wait3A_115] : memref<10240x128xf32, #tpu.memory_space<hbm>> -> memref<128x128xf32, #tpu.memory_space<hbm>>
        %dma_wait3A_117 = arith.constant 0 : i32
        %dma_wait3A_118 = arith.constant 0 : i32
        %dma_wait3A_119 = tpu.memref_slice %arg7[%run_scoped3A_72, %dma_wait3A_117, %dma_wait3A_118] : memref<2x128x128xf32, #tpu.memory_space<vmem>> -> memref<1x128x128xf32, #tpu.memory_space<vmem>>
        %dma_wait3A_120 = tpu.memref_squeeze %dma_wait3A_119 : memref<1x128x128xf32, #tpu.memory_space<vmem>> -> memref<128x128xf32, #tpu.memory_space<vmem>>
        tpu.wait_dma2 semaphore(%run_scoped3A_97 : memref<!tpu.dma_semaphore, #tpu.memory_space<semaphore_mem>>) src(%dma_wait3A_120 : memref<128x128xf32, #tpu.memory_space<vmem>>) dst(%dma_wait3A_116 : memref<128x128xf32, #tpu.memory_space<hbm>>)
        tpu.yield
      }) : () -> ()
      %mul3A_73 = arith.constant 640 : i32
      %mul3A_74 = arith.muli %arg1, %mul3A_73 : i32
      %add3A_75 = arith.constant 128 : i32
      %add3A_76 = arith.addi %mul3A_74, %add3A_75 : i32
      %run_scoped3A_77 = arith.constant 0 : i32
      "tpu.region"() ({
        %run_scoped3A_97 = tpu.sem_alloc : memref<!tpu.dma_semaphore, #tpu.memory_space<semaphore_mem>>
        %dma_start3A_98 = arith.constant 0 : i32
        %dma_start3A_99 = arith.constant 0 : i32
        %dma_start3A_100 = tpu.memref_slice %arg7[%run_scoped3A_77, %dma_start3A_98, %dma_start3A_99] : memref<2x128x128xf32, #tpu.memory_space<vmem>> -> memref<1x128x128xf32, #tpu.memory_space<vmem>>
        %dma_start3A_101 = tpu.memref_squeeze %dma_start3A_100 : memref<1x128x128xf32, #tpu.memory_space<vmem>> -> memref<128x128xf32, #tpu.memory_space<vmem>>
        %dma_start3A_102 = arith.constant 0 : i32
        %dma_start3A_103 = tpu.memref_slice %arg8[%add3A_76, %dma_start3A_102] : memref<10240x128xf32, #tpu.memory_space<vmem_shared>> -> memref<128x128xf32, #tpu.memory_space<vmem_shared>>
        %dma_start3A_104 = arith.constant 0 : i32
        %dma_start3A_105 = arith.constant 0 : i32
        %dma_start3A_106 = tpu.memref_slice %arg7[%run_scoped3A_77, %dma_start3A_104, %dma_start3A_105] : memref<2x128x128xf32, #tpu.memory_space<vmem>> -> memref<1x128x128xf32, #tpu.memory_space<vmem>>
        %dma_start3A_107 = tpu.memref_squeeze %dma_start3A_106 : memref<1x128x128xf32, #tpu.memory_space<vmem>> -> memref<128x128xf32, #tpu.memory_space<vmem>>
        %dma_start3A_108 = arith.constant 0 : i32
        %dma_start3A_109 = tpu.memref_slice %arg8[%add3A_76, %dma_start3A_108] : memref<10240x128xf32, #tpu.memory_space<vmem_shared>> -> memref<128x128xf32, #tpu.memory_space<vmem_shared>>
        tpu.enqueue_dma source(%dma_start3A_109 : memref<128x128xf32, #tpu.memory_space<vmem_shared>>) target(%dma_start3A_107 : memref<128x128xf32, #tpu.memory_space<vmem>>) target_semaphore(%run_scoped3A_97 : memref<!tpu.dma_semaphore, #tpu.memory_space<semaphore_mem>>)
        %dma_wait3A = arith.constant 0 : i32
        %dma_wait3A_110 = arith.constant 0 : i32
        %dma_wait3A_111 = tpu.memref_slice %arg7[%run_scoped3A_77, %dma_wait3A, %dma_wait3A_110] : memref<2x128x128xf32, #tpu.memory_space<vmem>> -> memref<1x128x128xf32, #tpu.memory_space<vmem>>
        %dma_wait3A_112 = tpu.memref_squeeze %dma_wait3A_111 : memref<1x128x128xf32, #tpu.memory_space<vmem>> -> memref<128x128xf32, #tpu.memory_space<vmem>>
        %dma_wait3A_113 = arith.constant 0 : i32
        %dma_wait3A_114 = tpu.memref_slice %arg8[%add3A_76, %dma_wait3A_113] : memref<10240x128xf32, #tpu.memory_space<vmem_shared>> -> memref<128x128xf32, #tpu.memory_space<vmem_shared>>
        %dma_wait3A_115 = arith.constant 0 : i32
        %dma_wait3A_116 = arith.constant 0 : i32
        %dma_wait3A_117 = tpu.memref_slice %arg7[%run_scoped3A_77, %dma_wait3A_115, %dma_wait3A_116] : memref<2x128x128xf32, #tpu.memory_space<vmem>> -> memref<1x128x128xf32, #tpu.memory_space<vmem>>
        %dma_wait3A_118 = tpu.memref_squeeze %dma_wait3A_117 : memref<1x128x128xf32, #tpu.memory_space<vmem>> -> memref<128x128xf32, #tpu.memory_space<vmem>>
        %dma_wait3A_119 = arith.constant 0 : i32
        %dma_wait3A_120 = tpu.memref_slice %arg8[%add3A_76, %dma_wait3A_119] : memref<10240x128xf32, #tpu.memory_space<vmem_shared>> -> memref<128x128xf32, #tpu.memory_space<vmem_shared>>
        tpu.wait_dma2 semaphore(%run_scoped3A_97 : memref<!tpu.dma_semaphore, #tpu.memory_space<semaphore_mem>>) src(%dma_wait3A_120 : memref<128x128xf32, #tpu.memory_space<vmem_shared>>) dst(%dma_wait3A_118 : memref<128x128xf32, #tpu.memory_space<vmem>>)
        tpu.yield
      }) : () -> ()
      %run_scoped3A_78 = arith.constant 0 : i32
      "tpu.region"() ({
        %run_scoped3A_97 = tpu.sem_alloc : memref<!tpu.dma_semaphore, #tpu.memory_space<semaphore_mem>>
        %dma_start3A_98 = arith.constant 0 : i32
        %dma_start3A_99 = arith.constant 0 : i32
        %dma_start3A_100 = tpu.memref_slice %arg7[%run_scoped3A_78, %dma_start3A_98, %dma_start3A_99] : memref<2x128x128xf32, #tpu.memory_space<vmem>> -> memref<1x128x128xf32, #tpu.memory_space<vmem>>
        %dma_start3A_101 = tpu.memref_squeeze %dma_start3A_100 : memref<1x128x128xf32, #tpu.memory_space<vmem>> -> memref<128x128xf32, #tpu.memory_space<vmem>>
        %dma_start3A_102 = arith.constant 0 : i32
        %dma_start3A_103 = tpu.memref_slice %arg4[%add3A_76, %dma_start3A_102] : memref<10240x128xf32, #tpu.memory_space<hbm>> -> memref<128x128xf32, #tpu.memory_space<hbm>>
        %dma_start3A_104 = arith.constant 0 : i32
        %dma_start3A_105 = tpu.memref_slice %arg4[%add3A_76, %dma_start3A_104] : memref<10240x128xf32, #tpu.memory_space<hbm>> -> memref<128x128xf32, #tpu.memory_space<hbm>>
        %dma_start3A_106 = arith.constant 0 : i32
        %dma_start3A_107 = arith.constant 0 : i32
        %dma_start3A_108 = tpu.memref_slice %arg7[%run_scoped3A_78, %dma_start3A_106, %dma_start3A_107] : memref<2x128x128xf32, #tpu.memory_space<vmem>> -> memref<1x128x128xf32, #tpu.memory_space<vmem>>
        %dma_start3A_109 = tpu.memref_squeeze %dma_start3A_108 : memref<1x128x128xf32, #tpu.memory_space<vmem>> -> memref<128x128xf32, #tpu.memory_space<vmem>>
        tpu.enqueue_dma source(%dma_start3A_109 : memref<128x128xf32, #tpu.memory_space<vmem>>) target(%dma_start3A_105 : memref<128x128xf32, #tpu.memory_space<hbm>>) target_semaphore(%run_scoped3A_97 : memref<!tpu.dma_semaphore, #tpu.memory_space<semaphore_mem>>)
        %dma_wait3A = arith.constant 0 : i32
        %dma_wait3A_110 = arith.constant 0 : i32
        %dma_wait3A_111 = tpu.memref_slice %arg7[%run_scoped3A_78, %dma_wait3A, %dma_wait3A_110] : memref<2x128x128xf32, #tpu.memory_space<vmem>> -> memref<1x128x128xf32, #tpu.memory_space<vmem>>
        %dma_wait3A_112 = tpu.memref_squeeze %dma_wait3A_111 : memref<1x128x128xf32, #tpu.memory_space<vmem>> -> memref<128x128xf32, #tpu.memory_space<vmem>>
        %dma_wait3A_113 = arith.constant 0 : i32
        %dma_wait3A_114 = tpu.memref_slice %arg4[%add3A_76, %dma_wait3A_113] : memref<10240x128xf32, #tpu.memory_space<hbm>> -> memref<128x128xf32, #tpu.memory_space<hbm>>
        %dma_wait3A_115 = arith.constant 0 : i32
        %dma_wait3A_116 = tpu.memref_slice %arg4[%add3A_76, %dma_wait3A_115] : memref<10240x128xf32, #tpu.memory_space<hbm>> -> memref<128x128xf32, #tpu.memory_space<hbm>>
        %dma_wait3A_117 = arith.constant 0 : i32
        %dma_wait3A_118 = arith.constant 0 : i32
        %dma_wait3A_119 = tpu.memref_slice %arg7[%run_scoped3A_78, %dma_wait3A_117, %dma_wait3A_118] : memref<2x128x128xf32, #tpu.memory_space<vmem>> -> memref<1x128x128xf32, #tpu.memory_space<vmem>>
        %dma_wait3A_120 = tpu.memref_squeeze %dma_wait3A_119 : memref<1x128x128xf32, #tpu.memory_space<vmem>> -> memref<128x128xf32, #tpu.memory_space<vmem>>
        tpu.wait_dma2 semaphore(%run_scoped3A_97 : memref<!tpu.dma_semaphore, #tpu.memory_space<semaphore_mem>>) src(%dma_wait3A_120 : memref<128x128xf32, #tpu.memory_space<vmem>>) dst(%dma_wait3A_116 : memref<128x128xf32, #tpu.memory_space<hbm>>)
        tpu.yield
      }) : () -> ()
      %mul3A_79 = arith.constant 640 : i32
      %mul3A_80 = arith.muli %arg1, %mul3A_79 : i32
      %add3A_81 = arith.constant 256 : i32
      %add3A_82 = arith.addi %mul3A_80, %add3A_81 : i32
      %run_scoped3A_83 = arith.constant 0 : i32
      "tpu.region"() ({
        %run_scoped3A_97 = tpu.sem_alloc : memref<!tpu.dma_semaphore, #tpu.memory_space<semaphore_mem>>
        %dma_start3A_98 = arith.constant 0 : i32
        %dma_start3A_99 = arith.constant 0 : i32
        %dma_start3A_100 = tpu.memref_slice %arg7[%run_scoped3A_83, %dma_start3A_98, %dma_start3A_99] : memref<2x128x128xf32, #tpu.memory_space<vmem>> -> memref<1x128x128xf32, #tpu.memory_space<vmem>>
        %dma_start3A_101 = tpu.memref_squeeze %dma_start3A_100 : memref<1x128x128xf32, #tpu.memory_space<vmem>> -> memref<128x128xf32, #tpu.memory_space<vmem>>
        %dma_start3A_102 = arith.constant 0 : i32
        %dma_start3A_103 = tpu.memref_slice %arg8[%add3A_82, %dma_start3A_102] : memref<10240x128xf32, #tpu.memory_space<vmem_shared>> -> memref<128x128xf32, #tpu.memory_space<vmem_shared>>
        %dma_start3A_104 = arith.constant 0 : i32
        %dma_start3A_105 = arith.constant 0 : i32
        %dma_start3A_106 = tpu.memref_slice %arg7[%run_scoped3A_83, %dma_start3A_104, %dma_start3A_105] : memref<2x128x128xf32, #tpu.memory_space<vmem>> -> memref<1x128x128xf32, #tpu.memory_space<vmem>>
        %dma_start3A_107 = tpu.memref_squeeze %dma_start3A_106 : memref<1x128x128xf32, #tpu.memory_space<vmem>> -> memref<128x128xf32, #tpu.memory_space<vmem>>
        %dma_start3A_108 = arith.constant 0 : i32
        %dma_start3A_109 = tpu.memref_slice %arg8[%add3A_82, %dma_start3A_108] : memref<10240x128xf32, #tpu.memory_space<vmem_shared>> -> memref<128x128xf32, #tpu.memory_space<vmem_shared>>
        tpu.enqueue_dma source(%dma_start3A_109 : memref<128x128xf32, #tpu.memory_space<vmem_shared>>) target(%dma_start3A_107 : memref<128x128xf32, #tpu.memory_space<vmem>>) target_semaphore(%run_scoped3A_97 : memref<!tpu.dma_semaphore, #tpu.memory_space<semaphore_mem>>)
        %dma_wait3A = arith.constant 0 : i32
        %dma_wait3A_110 = arith.constant 0 : i32
        %dma_wait3A_111 = tpu.memref_slice %arg7[%run_scoped3A_83, %dma_wait3A, %dma_wait3A_110] : memref<2x128x128xf32, #tpu.memory_space<vmem>> -> memref<1x128x128xf32, #tpu.memory_space<vmem>>
        %dma_wait3A_112 = tpu.memref_squeeze %dma_wait3A_111 : memref<1x128x128xf32, #tpu.memory_space<vmem>> -> memref<128x128xf32, #tpu.memory_space<vmem>>
        %dma_wait3A_113 = arith.constant 0 : i32
        %dma_wait3A_114 = tpu.memref_slice %arg8[%add3A_82, %dma_wait3A_113] : memref<10240x128xf32, #tpu.memory_space<vmem_shared>> -> memref<128x128xf32, #tpu.memory_space<vmem_shared>>
        %dma_wait3A_115 = arith.constant 0 : i32
        %dma_wait3A_116 = arith.constant 0 : i32
        %dma_wait3A_117 = tpu.memref_slice %arg7[%run_scoped3A_83, %dma_wait3A_115, %dma_wait3A_116] : memref<2x128x128xf32, #tpu.memory_space<vmem>> -> memref<1x128x128xf32, #tpu.memory_space<vmem>>
        %dma_wait3A_118 = tpu.memref_squeeze %dma_wait3A_117 : memref<1x128x128xf32, #tpu.memory_space<vmem>> -> memref<128x128xf32, #tpu.memory_space<vmem>>
        %dma_wait3A_119 = arith.constant 0 : i32
        %dma_wait3A_120 = tpu.memref_slice %arg8[%add3A_82, %dma_wait3A_119] : memref<10240x128xf32, #tpu.memory_space<vmem_shared>> -> memref<128x128xf32, #tpu.memory_space<vmem_shared>>
        tpu.wait_dma2 semaphore(%run_scoped3A_97 : memref<!tpu.dma_semaphore, #tpu.memory_space<semaphore_mem>>) src(%dma_wait3A_120 : memref<128x128xf32, #tpu.memory_space<vmem_shared>>) dst(%dma_wait3A_118 : memref<128x128xf32, #tpu.memory_space<vmem>>)
        tpu.yield
      }) : () -> ()
      %run_scoped3A_84 = arith.constant 0 : i32
      "tpu.region"() ({
        %run_scoped3A_97 = tpu.sem_alloc : memref<!tpu.dma_semaphore, #tpu.memory_space<semaphore_mem>>
        %dma_start3A_98 = arith.constant 0 : i32
        %dma_start3A_99 = arith.constant 0 : i32
        %dma_start3A_100 = tpu.memref_slice %arg7[%run_scoped3A_84, %dma_start3A_98, %dma_start3A_99] : memref<2x128x128xf32, #tpu.memory_space<vmem>> -> memref<1x128x128xf32, #tpu.memory_space<vmem>>
        %dma_start3A_101 = tpu.memref_squeeze %dma_start3A_100 : memref<1x128x128xf32, #tpu.memory_space<vmem>> -> memref<128x128xf32, #tpu.memory_space<vmem>>
        %dma_start3A_102 = arith.constant 0 : i32
        %dma_start3A_103 = tpu.memref_slice %arg4[%add3A_82, %dma_start3A_102] : memref<10240x128xf32, #tpu.memory_space<hbm>> -> memref<128x128xf32, #tpu.memory_space<hbm>>
        %dma_start3A_104 = arith.constant 0 : i32
        %dma_start3A_105 = tpu.memref_slice %arg4[%add3A_82, %dma_start3A_104] : memref<10240x128xf32, #tpu.memory_space<hbm>> -> memref<128x128xf32, #tpu.memory_space<hbm>>
        %dma_start3A_106 = arith.constant 0 : i32
        %dma_start3A_107 = arith.constant 0 : i32
        %dma_start3A_108 = tpu.memref_slice %arg7[%run_scoped3A_84, %dma_start3A_106, %dma_start3A_107] : memref<2x128x128xf32, #tpu.memory_space<vmem>> -> memref<1x128x128xf32, #tpu.memory_space<vmem>>
        %dma_start3A_109 = tpu.memref_squeeze %dma_start3A_108 : memref<1x128x128xf32, #tpu.memory_space<vmem>> -> memref<128x128xf32, #tpu.memory_space<vmem>>
        tpu.enqueue_dma source(%dma_start3A_109 : memref<128x128xf32, #tpu.memory_space<vmem>>) target(%dma_start3A_105 : memref<128x128xf32, #tpu.memory_space<hbm>>) target_semaphore(%run_scoped3A_97 : memref<!tpu.dma_semaphore, #tpu.memory_space<semaphore_mem>>)
        %dma_wait3A = arith.constant 0 : i32
        %dma_wait3A_110 = arith.constant 0 : i32
        %dma_wait3A_111 = tpu.memref_slice %arg7[%run_scoped3A_84, %dma_wait3A, %dma_wait3A_110] : memref<2x128x128xf32, #tpu.memory_space<vmem>> -> memref<1x128x128xf32, #tpu.memory_space<vmem>>
        %dma_wait3A_112 = tpu.memref_squeeze %dma_wait3A_111 : memref<1x128x128xf32, #tpu.memory_space<vmem>> -> memref<128x128xf32, #tpu.memory_space<vmem>>
        %dma_wait3A_113 = arith.constant 0 : i32
        %dma_wait3A_114 = tpu.memref_slice %arg4[%add3A_82, %dma_wait3A_113] : memref<10240x128xf32, #tpu.memory_space<hbm>> -> memref<128x128xf32, #tpu.memory_space<hbm>>
        %dma_wait3A_115 = arith.constant 0 : i32
        %dma_wait3A_116 = tpu.memref_slice %arg4[%add3A_82, %dma_wait3A_115] : memref<10240x128xf32, #tpu.memory_space<hbm>> -> memref<128x128xf32, #tpu.memory_space<hbm>>
        %dma_wait3A_117 = arith.constant 0 : i32
        %dma_wait3A_118 = arith.constant 0 : i32
        %dma_wait3A_119 = tpu.memref_slice %arg7[%run_scoped3A_84, %dma_wait3A_117, %dma_wait3A_118] : memref<2x128x128xf32, #tpu.memory_space<vmem>> -> memref<1x128x128xf32, #tpu.memory_space<vmem>>
        %dma_wait3A_120 = tpu.memref_squeeze %dma_wait3A_119 : memref<1x128x128xf32, #tpu.memory_space<vmem>> -> memref<128x128xf32, #tpu.memory_space<vmem>>
        tpu.wait_dma2 semaphore(%run_scoped3A_97 : memref<!tpu.dma_semaphore, #tpu.memory_space<semaphore_mem>>) src(%dma_wait3A_120 : memref<128x128xf32, #tpu.memory_space<vmem>>) dst(%dma_wait3A_116 : memref<128x128xf32, #tpu.memory_space<hbm>>)
        tpu.yield
      }) : () -> ()
      %mul3A_85 = arith.constant 640 : i32
      %mul3A_86 = arith.muli %arg1, %mul3A_85 : i32
      %add3A_87 = arith.constant 384 : i32
      %add3A_88 = arith.addi %mul3A_86, %add3A_87 : i32
      %run_scoped3A_89 = arith.constant 0 : i32
      "tpu.region"() ({
        %run_scoped3A_97 = tpu.sem_alloc : memref<!tpu.dma_semaphore, #tpu.memory_space<semaphore_mem>>
        %dma_start3A_98 = arith.constant 0 : i32
        %dma_start3A_99 = arith.constant 0 : i32
        %dma_start3A_100 = tpu.memref_slice %arg7[%run_scoped3A_89, %dma_start3A_98, %dma_start3A_99] : memref<2x128x128xf32, #tpu.memory_space<vmem>> -> memref<1x128x128xf32, #tpu.memory_space<vmem>>
        %dma_start3A_101 = tpu.memref_squeeze %dma_start3A_100 : memref<1x128x128xf32, #tpu.memory_space<vmem>> -> memref<128x128xf32, #tpu.memory_space<vmem>>
        %dma_start3A_102 = arith.constant 0 : i32
        %dma_start3A_103 = tpu.memref_slice %arg8[%add3A_88, %dma_start3A_102] : memref<10240x128xf32, #tpu.memory_space<vmem_shared>> -> memref<128x128xf32, #tpu.memory_space<vmem_shared>>
        %dma_start3A_104 = arith.constant 0 : i32
        %dma_start3A_105 = arith.constant 0 : i32
        %dma_start3A_106 = tpu.memref_slice %arg7[%run_scoped3A_89, %dma_start3A_104, %dma_start3A_105] : memref<2x128x128xf32, #tpu.memory_space<vmem>> -> memref<1x128x128xf32, #tpu.memory_space<vmem>>
        %dma_start3A_107 = tpu.memref_squeeze %dma_start3A_106 : memref<1x128x128xf32, #tpu.memory_space<vmem>> -> memref<128x128xf32, #tpu.memory_space<vmem>>
        %dma_start3A_108 = arith.constant 0 : i32
        %dma_start3A_109 = tpu.memref_slice %arg8[%add3A_88, %dma_start3A_108] : memref<10240x128xf32, #tpu.memory_space<vmem_shared>> -> memref<128x128xf32, #tpu.memory_space<vmem_shared>>
        tpu.enqueue_dma source(%dma_start3A_109 : memref<128x128xf32, #tpu.memory_space<vmem_shared>>) target(%dma_start3A_107 : memref<128x128xf32, #tpu.memory_space<vmem>>) target_semaphore(%run_scoped3A_97 : memref<!tpu.dma_semaphore, #tpu.memory_space<semaphore_mem>>)
        %dma_wait3A = arith.constant 0 : i32
        %dma_wait3A_110 = arith.constant 0 : i32
        %dma_wait3A_111 = tpu.memref_slice %arg7[%run_scoped3A_89, %dma_wait3A, %dma_wait3A_110] : memref<2x128x128xf32, #tpu.memory_space<vmem>> -> memref<1x128x128xf32, #tpu.memory_space<vmem>>
        %dma_wait3A_112 = tpu.memref_squeeze %dma_wait3A_111 : memref<1x128x128xf32, #tpu.memory_space<vmem>> -> memref<128x128xf32, #tpu.memory_space<vmem>>
        %dma_wait3A_113 = arith.constant 0 : i32
        %dma_wait3A_114 = tpu.memref_slice %arg8[%add3A_88, %dma_wait3A_113] : memref<10240x128xf32, #tpu.memory_space<vmem_shared>> -> memref<128x128xf32, #tpu.memory_space<vmem_shared>>
        %dma_wait3A_115 = arith.constant 0 : i32
        %dma_wait3A_116 = arith.constant 0 : i32
        %dma_wait3A_117 = tpu.memref_slice %arg7[%run_scoped3A_89, %dma_wait3A_115, %dma_wait3A_116] : memref<2x128x128xf32, #tpu.memory_space<vmem>> -> memref<1x128x128xf32, #tpu.memory_space<vmem>>
        %dma_wait3A_118 = tpu.memref_squeeze %dma_wait3A_117 : memref<1x128x128xf32, #tpu.memory_space<vmem>> -> memref<128x128xf32, #tpu.memory_space<vmem>>
        %dma_wait3A_119 = arith.constant 0 : i32
        %dma_wait3A_120 = tpu.memref_slice %arg8[%add3A_88, %dma_wait3A_119] : memref<10240x128xf32, #tpu.memory_space<vmem_shared>> -> memref<128x128xf32, #tpu.memory_space<vmem_shared>>
        tpu.wait_dma2 semaphore(%run_scoped3A_97 : memref<!tpu.dma_semaphore, #tpu.memory_space<semaphore_mem>>) src(%dma_wait3A_120 : memref<128x128xf32, #tpu.memory_space<vmem_shared>>) dst(%dma_wait3A_118 : memref<128x128xf32, #tpu.memory_space<vmem>>)
        tpu.yield
      }) : () -> ()
      %run_scoped3A_90 = arith.constant 0 : i32
      "tpu.region"() ({
        %run_scoped3A_97 = tpu.sem_alloc : memref<!tpu.dma_semaphore, #tpu.memory_space<semaphore_mem>>
        %dma_start3A_98 = arith.constant 0 : i32
        %dma_start3A_99 = arith.constant 0 : i32
        %dma_start3A_100 = tpu.memref_slice %arg7[%run_scoped3A_90, %dma_start3A_98, %dma_start3A_99] : memref<2x128x128xf32, #tpu.memory_space<vmem>> -> memref<1x128x128xf32, #tpu.memory_space<vmem>>
        %dma_start3A_101 = tpu.memref_squeeze %dma_start3A_100 : memref<1x128x128xf32, #tpu.memory_space<vmem>> -> memref<128x128xf32, #tpu.memory_space<vmem>>
        %dma_start3A_102 = arith.constant 0 : i32
        %dma_start3A_103 = tpu.memref_slice %arg4[%add3A_88, %dma_start3A_102] : memref<10240x128xf32, #tpu.memory_space<hbm>> -> memref<128x128xf32, #tpu.memory_space<hbm>>
        %dma_start3A_104 = arith.constant 0 : i32
        %dma_start3A_105 = tpu.memref_slice %arg4[%add3A_88, %dma_start3A_104] : memref<10240x128xf32, #tpu.memory_space<hbm>> -> memref<128x128xf32, #tpu.memory_space<hbm>>
        %dma_start3A_106 = arith.constant 0 : i32
        %dma_start3A_107 = arith.constant 0 : i32
        %dma_start3A_108 = tpu.memref_slice %arg7[%run_scoped3A_90, %dma_start3A_106, %dma_start3A_107] : memref<2x128x128xf32, #tpu.memory_space<vmem>> -> memref<1x128x128xf32, #tpu.memory_space<vmem>>
        %dma_start3A_109 = tpu.memref_squeeze %dma_start3A_108 : memref<1x128x128xf32, #tpu.memory_space<vmem>> -> memref<128x128xf32, #tpu.memory_space<vmem>>
        tpu.enqueue_dma source(%dma_start3A_109 : memref<128x128xf32, #tpu.memory_space<vmem>>) target(%dma_start3A_105 : memref<128x128xf32, #tpu.memory_space<hbm>>) target_semaphore(%run_scoped3A_97 : memref<!tpu.dma_semaphore, #tpu.memory_space<semaphore_mem>>)
        %dma_wait3A = arith.constant 0 : i32
        %dma_wait3A_110 = arith.constant 0 : i32
        %dma_wait3A_111 = tpu.memref_slice %arg7[%run_scoped3A_90, %dma_wait3A, %dma_wait3A_110] : memref<2x128x128xf32, #tpu.memory_space<vmem>> -> memref<1x128x128xf32, #tpu.memory_space<vmem>>
        %dma_wait3A_112 = tpu.memref_squeeze %dma_wait3A_111 : memref<1x128x128xf32, #tpu.memory_space<vmem>> -> memref<128x128xf32, #tpu.memory_space<vmem>>
        %dma_wait3A_113 = arith.constant 0 : i32
        %dma_wait3A_114 = tpu.memref_slice %arg4[%add3A_88, %dma_wait3A_113] : memref<10240x128xf32, #tpu.memory_space<hbm>> -> memref<128x128xf32, #tpu.memory_space<hbm>>
        %dma_wait3A_115 = arith.constant 0 : i32
        %dma_wait3A_116 = tpu.memref_slice %arg4[%add3A_88, %dma_wait3A_115] : memref<10240x128xf32, #tpu.memory_space<hbm>> -> memref<128x128xf32, #tpu.memory_space<hbm>>
        %dma_wait3A_117 = arith.constant 0 : i32
        %dma_wait3A_118 = arith.constant 0 : i32
        %dma_wait3A_119 = tpu.memref_slice %arg7[%run_scoped3A_90, %dma_wait3A_117, %dma_wait3A_118] : memref<2x128x128xf32, #tpu.memory_space<vmem>> -> memref<1x128x128xf32, #tpu.memory_space<vmem>>
        %dma_wait3A_120 = tpu.memref_squeeze %dma_wait3A_119 : memref<1x128x128xf32, #tpu.memory_space<vmem>> -> memref<128x128xf32, #tpu.memory_space<vmem>>
        tpu.wait_dma2 semaphore(%run_scoped3A_97 : memref<!tpu.dma_semaphore, #tpu.memory_space<semaphore_mem>>) src(%dma_wait3A_120 : memref<128x128xf32, #tpu.memory_space<vmem>>) dst(%dma_wait3A_116 : memref<128x128xf32, #tpu.memory_space<hbm>>)
        tpu.yield
      }) : () -> ()
      %mul3A_91 = arith.constant 640 : i32
      %mul3A_92 = arith.muli %arg1, %mul3A_91 : i32
      %add3A_93 = arith.constant 512 : i32
      %add3A_94 = arith.addi %mul3A_92, %add3A_93 : i32
      %run_scoped3A_95 = arith.constant 0 : i32
      "tpu.region"() ({
        %run_scoped3A_97 = tpu.sem_alloc : memref<!tpu.dma_semaphore, #tpu.memory_space<semaphore_mem>>
        %dma_start3A_98 = arith.constant 0 : i32
        %dma_start3A_99 = arith.constant 0 : i32
        %dma_start3A_100 = tpu.memref_slice %arg7[%run_scoped3A_95, %dma_start3A_98, %dma_start3A_99] : memref<2x128x128xf32, #tpu.memory_space<vmem>> -> memref<1x128x128xf32, #tpu.memory_space<vmem>>
        %dma_start3A_101 = tpu.memref_squeeze %dma_start3A_100 : memref<1x128x128xf32, #tpu.memory_space<vmem>> -> memref<128x128xf32, #tpu.memory_space<vmem>>
        %dma_start3A_102 = arith.constant 0 : i32
        %dma_start3A_103 = tpu.memref_slice %arg8[%add3A_94, %dma_start3A_102] : memref<10240x128xf32, #tpu.memory_space<vmem_shared>> -> memref<128x128xf32, #tpu.memory_space<vmem_shared>>
        %dma_start3A_104 = arith.constant 0 : i32
        %dma_start3A_105 = arith.constant 0 : i32
        %dma_start3A_106 = tpu.memref_slice %arg7[%run_scoped3A_95, %dma_start3A_104, %dma_start3A_105] : memref<2x128x128xf32, #tpu.memory_space<vmem>> -> memref<1x128x128xf32, #tpu.memory_space<vmem>>
        %dma_start3A_107 = tpu.memref_squeeze %dma_start3A_106 : memref<1x128x128xf32, #tpu.memory_space<vmem>> -> memref<128x128xf32, #tpu.memory_space<vmem>>
        %dma_start3A_108 = arith.constant 0 : i32
        %dma_start3A_109 = tpu.memref_slice %arg8[%add3A_94, %dma_start3A_108] : memref<10240x128xf32, #tpu.memory_space<vmem_shared>> -> memref<128x128xf32, #tpu.memory_space<vmem_shared>>
        tpu.enqueue_dma source(%dma_start3A_109 : memref<128x128xf32, #tpu.memory_space<vmem_shared>>) target(%dma_start3A_107 : memref<128x128xf32, #tpu.memory_space<vmem>>) target_semaphore(%run_scoped3A_97 : memref<!tpu.dma_semaphore, #tpu.memory_space<semaphore_mem>>)
        %dma_wait3A = arith.constant 0 : i32
        %dma_wait3A_110 = arith.constant 0 : i32
        %dma_wait3A_111 = tpu.memref_slice %arg7[%run_scoped3A_95, %dma_wait3A, %dma_wait3A_110] : memref<2x128x128xf32, #tpu.memory_space<vmem>> -> memref<1x128x128xf32, #tpu.memory_space<vmem>>
        %dma_wait3A_112 = tpu.memref_squeeze %dma_wait3A_111 : memref<1x128x128xf32, #tpu.memory_space<vmem>> -> memref<128x128xf32, #tpu.memory_space<vmem>>
        %dma_wait3A_113 = arith.constant 0 : i32
        %dma_wait3A_114 = tpu.memref_slice %arg8[%add3A_94, %dma_wait3A_113] : memref<10240x128xf32, #tpu.memory_space<vmem_shared>> -> memref<128x128xf32, #tpu.memory_space<vmem_shared>>
        %dma_wait3A_115 = arith.constant 0 : i32
        %dma_wait3A_116 = arith.constant 0 : i32
        %dma_wait3A_117 = tpu.memref_slice %arg7[%run_scoped3A_95, %dma_wait3A_115, %dma_wait3A_116] : memref<2x128x128xf32, #tpu.memory_space<vmem>> -> memref<1x128x128xf32, #tpu.memory_space<vmem>>
        %dma_wait3A_118 = tpu.memref_squeeze %dma_wait3A_117 : memref<1x128x128xf32, #tpu.memory_space<vmem>> -> memref<128x128xf32, #tpu.memory_space<vmem>>
        %dma_wait3A_119 = arith.constant 0 : i32
        %dma_wait3A_120 = tpu.memref_slice %arg8[%add3A_94, %dma_wait3A_119] : memref<10240x128xf32, #tpu.memory_space<vmem_shared>> -> memref<128x128xf32, #tpu.memory_space<vmem_shared>>
        tpu.wait_dma2 semaphore(%run_scoped3A_97 : memref<!tpu.dma_semaphore, #tpu.memory_space<semaphore_mem>>) src(%dma_wait3A_120 : memref<128x128xf32, #tpu.memory_space<vmem_shared>>) dst(%dma_wait3A_118 : memref<128x128xf32, #tpu.memory_space<vmem>>)
        tpu.yield
      }) : () -> ()
      %run_scoped3A_96 = arith.constant 0 : i32
      "tpu.region"() ({
        %run_scoped3A_97 = tpu.sem_alloc : memref<!tpu.dma_semaphore, #tpu.memory_space<semaphore_mem>>
        %dma_start3A_98 = arith.constant 0 : i32
        %dma_start3A_99 = arith.constant 0 : i32
        %dma_start3A_100 = tpu.memref_slice %arg7[%run_scoped3A_96, %dma_start3A_98, %dma_start3A_99] : memref<2x128x128xf32, #tpu.memory_space<vmem>> -> memref<1x128x128xf32, #tpu.memory_space<vmem>>
        %dma_start3A_101 = tpu.memref_squeeze %dma_start3A_100 : memref<1x128x128xf32, #tpu.memory_space<vmem>> -> memref<128x128xf32, #tpu.memory_space<vmem>>
        %dma_start3A_102 = arith.constant 0 : i32
        %dma_start3A_103 = tpu.memref_slice %arg4[%add3A_94, %dma_start3A_102] : memref<10240x128xf32, #tpu.memory_space<hbm>> -> memref<128x128xf32, #tpu.memory_space<hbm>>
        %dma_start3A_104 = arith.constant 0 : i32
        %dma_start3A_105 = tpu.memref_slice %arg4[%add3A_94, %dma_start3A_104] : memref<10240x128xf32, #tpu.memory_space<hbm>> -> memref<128x128xf32, #tpu.memory_space<hbm>>
        %dma_start3A_106 = arith.constant 0 : i32
        %dma_start3A_107 = arith.constant 0 : i32
        %dma_start3A_108 = tpu.memref_slice %arg7[%run_scoped3A_96, %dma_start3A_106, %dma_start3A_107] : memref<2x128x128xf32, #tpu.memory_space<vmem>> -> memref<1x128x128xf32, #tpu.memory_space<vmem>>
        %dma_start3A_109 = tpu.memref_squeeze %dma_start3A_108 : memref<1x128x128xf32, #tpu.memory_space<vmem>> -> memref<128x128xf32, #tpu.memory_space<vmem>>
        tpu.enqueue_dma source(%dma_start3A_109 : memref<128x128xf32, #tpu.memory_space<vmem>>) target(%dma_start3A_105 : memref<128x128xf32, #tpu.memory_space<hbm>>) target_semaphore(%run_scoped3A_97 : memref<!tpu.dma_semaphore, #tpu.memory_space<semaphore_mem>>)
        %dma_wait3A = arith.constant 0 : i32
        %dma_wait3A_110 = arith.constant 0 : i32
        %dma_wait3A_111 = tpu.memref_slice %arg7[%run_scoped3A_96, %dma_wait3A, %dma_wait3A_110] : memref<2x128x128xf32, #tpu.memory_space<vmem>> -> memref<1x128x128xf32, #tpu.memory_space<vmem>>
        %dma_wait3A_112 = tpu.memref_squeeze %dma_wait3A_111 : memref<1x128x128xf32, #tpu.memory_space<vmem>> -> memref<128x128xf32, #tpu.memory_space<vmem>>
        %dma_wait3A_113 = arith.constant 0 : i32
        %dma_wait3A_114 = tpu.memref_slice %arg4[%add3A_94, %dma_wait3A_113] : memref<10240x128xf32, #tpu.memory_space<hbm>> -> memref<128x128xf32, #tpu.memory_space<hbm>>
        %dma_wait3A_115 = arith.constant 0 : i32
        %dma_wait3A_116 = tpu.memref_slice %arg4[%add3A_94, %dma_wait3A_115] : memref<10240x128xf32, #tpu.memory_space<hbm>> -> memref<128x128xf32, #tpu.memory_space<hbm>>
        %dma_wait3A_117 = arith.constant 0 : i32
        %dma_wait3A_118 = arith.constant 0 : i32
        %dma_wait3A_119 = tpu.memref_slice %arg7[%run_scoped3A_96, %dma_wait3A_117, %dma_wait3A_118] : memref<2x128x128xf32, #tpu.memory_space<vmem>> -> memref<1x128x128xf32, #tpu.memory_space<vmem>>
        %dma_wait3A_120 = tpu.memref_squeeze %dma_wait3A_119 : memref<1x128x128xf32, #tpu.memory_space<vmem>> -> memref<128x128xf32, #tpu.memory_space<vmem>>
        tpu.wait_dma2 semaphore(%run_scoped3A_97 : memref<!tpu.dma_semaphore, #tpu.memory_space<semaphore_mem>>) src(%dma_wait3A_120 : memref<128x128xf32, #tpu.memory_space<vmem>>) dst(%dma_wait3A_116 : memref<128x128xf32, #tpu.memory_space<hbm>>)
        tpu.yield
      }) : () -> ()
    } else {
    }
    %eq3A_62 = arith.constant 1 : i32
    %eq3A_63 = arith.cmpi eq, %arg0, %eq3A_62 : i32
    %convert_element_type3A_64 = arith.extui %eq3A_63 : i1 to i32
    %cond3A_65 = arith.constant 0 : i32
    %cond3A_66 = arith.cmpi ne, %convert_element_type3A_64, %cond3A_65 : i32
    scf.if %cond3A_66 {
      %mul3A_67 = arith.constant 640 : i32
      %mul3A_68 = arith.muli %arg1, %mul3A_67 : i32
      %add3A_69 = arith.constant 0 : i32
      %add3A_70 = arith.addi %mul3A_68, %add3A_69 : i32
      %run_scoped3A_71 = arith.constant 0 : i32
      "tpu.region"() ({
        %run_scoped3A_97 = tpu.sem_alloc : memref<!tpu.dma_semaphore, #tpu.memory_space<semaphore_mem>>
        %dma_start3A_98 = arith.constant 0 : i32
        %dma_start3A_99 = arith.constant 0 : i32
        %dma_start3A_100 = tpu.memref_slice %arg7[%run_scoped3A_71, %dma_start3A_98, %dma_start3A_99] : memref<2x128x128xf32, #tpu.memory_space<vmem>> -> memref<1x128x128xf32, #tpu.memory_space<vmem>>
        %dma_start3A_101 = tpu.memref_squeeze %dma_start3A_100 : memref<1x128x128xf32, #tpu.memory_space<vmem>> -> memref<128x128xf32, #tpu.memory_space<vmem>>
        %dma_start3A_102 = arith.constant 0 : i32
        %dma_start3A_103 = tpu.memref_slice %arg8[%add3A_70, %dma_start3A_102] : memref<10240x128xf32, #tpu.memory_space<vmem_shared>> -> memref<128x128xf32, #tpu.memory_space<vmem_shared>>
        %dma_start3A_104 = arith.constant 0 : i32
        %dma_start3A_105 = arith.constant 0 : i32
        %dma_start3A_106 = tpu.memref_slice %arg7[%run_scoped3A_71, %dma_start3A_104, %dma_start3A_105] : memref<2x128x128xf32, #tpu.memory_space<vmem>> -> memref<1x128x128xf32, #tpu.memory_space<vmem>>
        %dma_start3A_107 = tpu.memref_squeeze %dma_start3A_106 : memref<1x128x128xf32, #tpu.memory_space<vmem>> -> memref<128x128xf32, #tpu.memory_space<vmem>>
        %dma_start3A_108 = arith.constant 0 : i32
        %dma_start3A_109 = tpu.memref_slice %arg8[%add3A_70, %dma_start3A_108] : memref<10240x128xf32, #tpu.memory_space<vmem_shared>> -> memref<128x128xf32, #tpu.memory_space<vmem_shared>>
        tpu.enqueue_dma source(%dma_start3A_109 : memref<128x128xf32, #tpu.memory_space<vmem_shared>>) target(%dma_start3A_107 : memref<128x128xf32, #tpu.memory_space<vmem>>) target_semaphore(%run_scoped3A_97 : memref<!tpu.dma_semaphore, #tpu.memory_space<semaphore_mem>>)
        %dma_wait3A = arith.constant 0 : i32
        %dma_wait3A_110 = arith.constant 0 : i32
        %dma_wait3A_111 = tpu.memref_slice %arg7[%run_scoped3A_71, %dma_wait3A, %dma_wait3A_110] : memref<2x128x128xf32, #tpu.memory_space<vmem>> -> memref<1x128x128xf32, #tpu.memory_space<vmem>>
        %dma_wait3A_112 = tpu.memref_squeeze %dma_wait3A_111 : memref<1x128x128xf32, #tpu.memory_space<vmem>> -> memref<128x128xf32, #tpu.memory_space<vmem>>
        %dma_wait3A_113 = arith.constant 0 : i32
        %dma_wait3A_114 = tpu.memref_slice %arg8[%add3A_70, %dma_wait3A_113] : memref<10240x128xf32, #tpu.memory_space<vmem_shared>> -> memref<128x128xf32, #tpu.memory_space<vmem_shared>>
        %dma_wait3A_115 = arith.constant 0 : i32
        %dma_wait3A_116 = arith.constant 0 : i32
        %dma_wait3A_117 = tpu.memref_slice %arg7[%run_scoped3A_71, %dma_wait3A_115, %dma_wait3A_116] : memref<2x128x128xf32, #tpu.memory_space<vmem>> -> memref<1x128x128xf32, #tpu.memory_space<vmem>>
        %dma_wait3A_118 = tpu.memref_squeeze %dma_wait3A_117 : memref<1x128x128xf32, #tpu.memory_space<vmem>> -> memref<128x128xf32, #tpu.memory_space<vmem>>
        %dma_wait3A_119 = arith.constant 0 : i32
        %dma_wait3A_120 = tpu.memref_slice %arg8[%add3A_70, %dma_wait3A_119] : memref<10240x128xf32, #tpu.memory_space<vmem_shared>> -> memref<128x128xf32, #tpu.memory_space<vmem_shared>>
        tpu.wait_dma2 semaphore(%run_scoped3A_97 : memref<!tpu.dma_semaphore, #tpu.memory_space<semaphore_mem>>) src(%dma_wait3A_120 : memref<128x128xf32, #tpu.memory_space<vmem_shared>>) dst(%dma_wait3A_118 : memref<128x128xf32, #tpu.memory_space<vmem>>)
        tpu.yield
      }) : () -> ()
      %run_scoped3A_72 = arith.constant 0 : i32
      "tpu.region"() ({
        %run_scoped3A_97 = tpu.sem_alloc : memref<!tpu.dma_semaphore, #tpu.memory_space<semaphore_mem>>
        %dma_start3A_98 = arith.constant 0 : i32
        %dma_start3A_99 = arith.constant 0 : i32
        %dma_start3A_100 = tpu.memref_slice %arg7[%run_scoped3A_72, %dma_start3A_98, %dma_start3A_99] : memref<2x128x128xf32, #tpu.memory_space<vmem>> -> memref<1x128x128xf32, #tpu.memory_space<vmem>>
        %dma_start3A_101 = tpu.memref_squeeze %dma_start3A_100 : memref<1x128x128xf32, #tpu.memory_space<vmem>> -> memref<128x128xf32, #tpu.memory_space<vmem>>
        %dma_start3A_102 = arith.constant 0 : i32
        %dma_start3A_103 = tpu.memref_slice %arg5[%add3A_70, %dma_start3A_102] : memref<10240x128xf32, #tpu.memory_space<hbm>> -> memref<128x128xf32, #tpu.memory_space<hbm>>
        %dma_start3A_104 = arith.constant 0 : i32
        %dma_start3A_105 = tpu.memref_slice %arg5[%add3A_70, %dma_start3A_104] : memref<10240x128xf32, #tpu.memory_space<hbm>> -> memref<128x128xf32, #tpu.memory_space<hbm>>
        %dma_start3A_106 = arith.constant 0 : i32
        %dma_start3A_107 = arith.constant 0 : i32
        %dma_start3A_108 = tpu.memref_slice %arg7[%run_scoped3A_72, %dma_start3A_106, %dma_start3A_107] : memref<2x128x128xf32, #tpu.memory_space<vmem>> -> memref<1x128x128xf32, #tpu.memory_space<vmem>>
        %dma_start3A_109 = tpu.memref_squeeze %dma_start3A_108 : memref<1x128x128xf32, #tpu.memory_space<vmem>> -> memref<128x128xf32, #tpu.memory_space<vmem>>
        tpu.enqueue_dma source(%dma_start3A_109 : memref<128x128xf32, #tpu.memory_space<vmem>>) target(%dma_start3A_105 : memref<128x128xf32, #tpu.memory_space<hbm>>) target_semaphore(%run_scoped3A_97 : memref<!tpu.dma_semaphore, #tpu.memory_space<semaphore_mem>>)
        %dma_wait3A = arith.constant 0 : i32
        %dma_wait3A_110 = arith.constant 0 : i32
        %dma_wait3A_111 = tpu.memref_slice %arg7[%run_scoped3A_72, %dma_wait3A, %dma_wait3A_110] : memref<2x128x128xf32, #tpu.memory_space<vmem>> -> memref<1x128x128xf32, #tpu.memory_space<vmem>>
        %dma_wait3A_112 = tpu.memref_squeeze %dma_wait3A_111 : memref<1x128x128xf32, #tpu.memory_space<vmem>> -> memref<128x128xf32, #tpu.memory_space<vmem>>
        %dma_wait3A_113 = arith.constant 0 : i32
        %dma_wait3A_114 = tpu.memref_slice %arg5[%add3A_70, %dma_wait3A_113] : memref<10240x128xf32, #tpu.memory_space<hbm>> -> memref<128x128xf32, #tpu.memory_space<hbm>>
        %dma_wait3A_115 = arith.constant 0 : i32
        %dma_wait3A_116 = tpu.memref_slice %arg5[%add3A_70, %dma_wait3A_115] : memref<10240x128xf32, #tpu.memory_space<hbm>> -> memref<128x128xf32, #tpu.memory_space<hbm>>
        %dma_wait3A_117 = arith.constant 0 : i32
        %dma_wait3A_118 = arith.constant 0 : i32
        %dma_wait3A_119 = tpu.memref_slice %arg7[%run_scoped3A_72, %dma_wait3A_117, %dma_wait3A_118] : memref<2x128x128xf32, #tpu.memory_space<vmem>> -> memref<1x128x128xf32, #tpu.memory_space<vmem>>
        %dma_wait3A_120 = tpu.memref_squeeze %dma_wait3A_119 : memref<1x128x128xf32, #tpu.memory_space<vmem>> -> memref<128x128xf32, #tpu.memory_space<vmem>>
        tpu.wait_dma2 semaphore(%run_scoped3A_97 : memref<!tpu.dma_semaphore, #tpu.memory_space<semaphore_mem>>) src(%dma_wait3A_120 : memref<128x128xf32, #tpu.memory_space<vmem>>) dst(%dma_wait3A_116 : memref<128x128xf32, #tpu.memory_space<hbm>>)
        tpu.yield
      }) : () -> ()
      %mul3A_73 = arith.constant 640 : i32
      %mul3A_74 = arith.muli %arg1, %mul3A_73 : i32
      %add3A_75 = arith.constant 128 : i32
      %add3A_76 = arith.addi %mul3A_74, %add3A_75 : i32
      %run_scoped3A_77 = arith.constant 0 : i32
      "tpu.region"() ({
        %run_scoped3A_97 = tpu.sem_alloc : memref<!tpu.dma_semaphore, #tpu.memory_space<semaphore_mem>>
        %dma_start3A_98 = arith.constant 0 : i32
        %dma_start3A_99 = arith.constant 0 : i32
        %dma_start3A_100 = tpu.memref_slice %arg7[%run_scoped3A_77, %dma_start3A_98, %dma_start3A_99] : memref<2x128x128xf32, #tpu.memory_space<vmem>> -> memref<1x128x128xf32, #tpu.memory_space<vmem>>
        %dma_start3A_101 = tpu.memref_squeeze %dma_start3A_100 : memref<1x128x128xf32, #tpu.memory_space<vmem>> -> memref<128x128xf32, #tpu.memory_space<vmem>>
        %dma_start3A_102 = arith.constant 0 : i32
        %dma_start3A_103 = tpu.memref_slice %arg8[%add3A_76, %dma_start3A_102] : memref<10240x128xf32, #tpu.memory_space<vmem_shared>> -> memref<128x128xf32, #tpu.memory_space<vmem_shared>>
        %dma_start3A_104 = arith.constant 0 : i32
        %dma_start3A_105 = arith.constant 0 : i32
        %dma_start3A_106 = tpu.memref_slice %arg7[%run_scoped3A_77, %dma_start3A_104, %dma_start3A_105] : memref<2x128x128xf32, #tpu.memory_space<vmem>> -> memref<1x128x128xf32, #tpu.memory_space<vmem>>
        %dma_start3A_107 = tpu.memref_squeeze %dma_start3A_106 : memref<1x128x128xf32, #tpu.memory_space<vmem>> -> memref<128x128xf32, #tpu.memory_space<vmem>>
        %dma_start3A_108 = arith.constant 0 : i32
        %dma_start3A_109 = tpu.memref_slice %arg8[%add3A_76, %dma_start3A_108] : memref<10240x128xf32, #tpu.memory_space<vmem_shared>> -> memref<128x128xf32, #tpu.memory_space<vmem_shared>>
        tpu.enqueue_dma source(%dma_start3A_109 : memref<128x128xf32, #tpu.memory_space<vmem_shared>>) target(%dma_start3A_107 : memref<128x128xf32, #tpu.memory_space<vmem>>) target_semaphore(%run_scoped3A_97 : memref<!tpu.dma_semaphore, #tpu.memory_space<semaphore_mem>>)
        %dma_wait3A = arith.constant 0 : i32
        %dma_wait3A_110 = arith.constant 0 : i32
        %dma_wait3A_111 = tpu.memref_slice %arg7[%run_scoped3A_77, %dma_wait3A, %dma_wait3A_110] : memref<2x128x128xf32, #tpu.memory_space<vmem>> -> memref<1x128x128xf32, #tpu.memory_space<vmem>>
        %dma_wait3A_112 = tpu.memref_squeeze %dma_wait3A_111 : memref<1x128x128xf32, #tpu.memory_space<vmem>> -> memref<128x128xf32, #tpu.memory_space<vmem>>
        %dma_wait3A_113 = arith.constant 0 : i32
        %dma_wait3A_114 = tpu.memref_slice %arg8[%add3A_76, %dma_wait3A_113] : memref<10240x128xf32, #tpu.memory_space<vmem_shared>> -> memref<128x128xf32, #tpu.memory_space<vmem_shared>>
        %dma_wait3A_115 = arith.constant 0 : i32
        %dma_wait3A_116 = arith.constant 0 : i32
        %dma_wait3A_117 = tpu.memref_slice %arg7[%run_scoped3A_77, %dma_wait3A_115, %dma_wait3A_116] : memref<2x128x128xf32, #tpu.memory_space<vmem>> -> memref<1x128x128xf32, #tpu.memory_space<vmem>>
        %dma_wait3A_118 = tpu.memref_squeeze %dma_wait3A_117 : memref<1x128x128xf32, #tpu.memory_space<vmem>> -> memref<128x128xf32, #tpu.memory_space<vmem>>
        %dma_wait3A_119 = arith.constant 0 : i32
        %dma_wait3A_120 = tpu.memref_slice %arg8[%add3A_76, %dma_wait3A_119] : memref<10240x128xf32, #tpu.memory_space<vmem_shared>> -> memref<128x128xf32, #tpu.memory_space<vmem_shared>>
        tpu.wait_dma2 semaphore(%run_scoped3A_97 : memref<!tpu.dma_semaphore, #tpu.memory_space<semaphore_mem>>) src(%dma_wait3A_120 : memref<128x128xf32, #tpu.memory_space<vmem_shared>>) dst(%dma_wait3A_118 : memref<128x128xf32, #tpu.memory_space<vmem>>)
        tpu.yield
      }) : () -> ()
      %run_scoped3A_78 = arith.constant 0 : i32
      "tpu.region"() ({
        %run_scoped3A_97 = tpu.sem_alloc : memref<!tpu.dma_semaphore, #tpu.memory_space<semaphore_mem>>
        %dma_start3A_98 = arith.constant 0 : i32
        %dma_start3A_99 = arith.constant 0 : i32
        %dma_start3A_100 = tpu.memref_slice %arg7[%run_scoped3A_78, %dma_start3A_98, %dma_start3A_99] : memref<2x128x128xf32, #tpu.memory_space<vmem>> -> memref<1x128x128xf32, #tpu.memory_space<vmem>>
        %dma_start3A_101 = tpu.memref_squeeze %dma_start3A_100 : memref<1x128x128xf32, #tpu.memory_space<vmem>> -> memref<128x128xf32, #tpu.memory_space<vmem>>
        %dma_start3A_102 = arith.constant 0 : i32
        %dma_start3A_103 = tpu.memref_slice %arg5[%add3A_76, %dma_start3A_102] : memref<10240x128xf32, #tpu.memory_space<hbm>> -> memref<128x128xf32, #tpu.memory_space<hbm>>
        %dma_start3A_104 = arith.constant 0 : i32
        %dma_start3A_105 = tpu.memref_slice %arg5[%add3A_76, %dma_start3A_104] : memref<10240x128xf32, #tpu.memory_space<hbm>> -> memref<128x128xf32, #tpu.memory_space<hbm>>
        %dma_start3A_106 = arith.constant 0 : i32
        %dma_start3A_107 = arith.constant 0 : i32
        %dma_start3A_108 = tpu.memref_slice %arg7[%run_scoped3A_78, %dma_start3A_106, %dma_start3A_107] : memref<2x128x128xf32, #tpu.memory_space<vmem>> -> memref<1x128x128xf32, #tpu.memory_space<vmem>>
        %dma_start3A_109 = tpu.memref_squeeze %dma_start3A_108 : memref<1x128x128xf32, #tpu.memory_space<vmem>> -> memref<128x128xf32, #tpu.memory_space<vmem>>
        tpu.enqueue_dma source(%dma_start3A_109 : memref<128x128xf32, #tpu.memory_space<vmem>>) target(%dma_start3A_105 : memref<128x128xf32, #tpu.memory_space<hbm>>) target_semaphore(%run_scoped3A_97 : memref<!tpu.dma_semaphore, #tpu.memory_space<semaphore_mem>>)
        %dma_wait3A = arith.constant 0 : i32
        %dma_wait3A_110 = arith.constant 0 : i32
        %dma_wait3A_111 = tpu.memref_slice %arg7[%run_scoped3A_78, %dma_wait3A, %dma_wait3A_110] : memref<2x128x128xf32, #tpu.memory_space<vmem>> -> memref<1x128x128xf32, #tpu.memory_space<vmem>>
        %dma_wait3A_112 = tpu.memref_squeeze %dma_wait3A_111 : memref<1x128x128xf32, #tpu.memory_space<vmem>> -> memref<128x128xf32, #tpu.memory_space<vmem>>
        %dma_wait3A_113 = arith.constant 0 : i32
        %dma_wait3A_114 = tpu.memref_slice %arg5[%add3A_76, %dma_wait3A_113] : memref<10240x128xf32, #tpu.memory_space<hbm>> -> memref<128x128xf32, #tpu.memory_space<hbm>>
        %dma_wait3A_115 = arith.constant 0 : i32
        %dma_wait3A_116 = tpu.memref_slice %arg5[%add3A_76, %dma_wait3A_115] : memref<10240x128xf32, #tpu.memory_space<hbm>> -> memref<128x128xf32, #tpu.memory_space<hbm>>
        %dma_wait3A_117 = arith.constant 0 : i32
        %dma_wait3A_118 = arith.constant 0 : i32
        %dma_wait3A_119 = tpu.memref_slice %arg7[%run_scoped3A_78, %dma_wait3A_117, %dma_wait3A_118] : memref<2x128x128xf32, #tpu.memory_space<vmem>> -> memref<1x128x128xf32, #tpu.memory_space<vmem>>
        %dma_wait3A_120 = tpu.memref_squeeze %dma_wait3A_119 : memref<1x128x128xf32, #tpu.memory_space<vmem>> -> memref<128x128xf32, #tpu.memory_space<vmem>>
        tpu.wait_dma2 semaphore(%run_scoped3A_97 : memref<!tpu.dma_semaphore, #tpu.memory_space<semaphore_mem>>) src(%dma_wait3A_120 : memref<128x128xf32, #tpu.memory_space<vmem>>) dst(%dma_wait3A_116 : memref<128x128xf32, #tpu.memory_space<hbm>>)
        tpu.yield
      }) : () -> ()
      %mul3A_79 = arith.constant 640 : i32
      %mul3A_80 = arith.muli %arg1, %mul3A_79 : i32
      %add3A_81 = arith.constant 256 : i32
      %add3A_82 = arith.addi %mul3A_80, %add3A_81 : i32
      %run_scoped3A_83 = arith.constant 0 : i32
      "tpu.region"() ({
        %run_scoped3A_97 = tpu.sem_alloc : memref<!tpu.dma_semaphore, #tpu.memory_space<semaphore_mem>>
        %dma_start3A_98 = arith.constant 0 : i32
        %dma_start3A_99 = arith.constant 0 : i32
        %dma_start3A_100 = tpu.memref_slice %arg7[%run_scoped3A_83, %dma_start3A_98, %dma_start3A_99] : memref<2x128x128xf32, #tpu.memory_space<vmem>> -> memref<1x128x128xf32, #tpu.memory_space<vmem>>
        %dma_start3A_101 = tpu.memref_squeeze %dma_start3A_100 : memref<1x128x128xf32, #tpu.memory_space<vmem>> -> memref<128x128xf32, #tpu.memory_space<vmem>>
        %dma_start3A_102 = arith.constant 0 : i32
        %dma_start3A_103 = tpu.memref_slice %arg8[%add3A_82, %dma_start3A_102] : memref<10240x128xf32, #tpu.memory_space<vmem_shared>> -> memref<128x128xf32, #tpu.memory_space<vmem_shared>>
        %dma_start3A_104 = arith.constant 0 : i32
        %dma_start3A_105 = arith.constant 0 : i32
        %dma_start3A_106 = tpu.memref_slice %arg7[%run_scoped3A_83, %dma_start3A_104, %dma_start3A_105] : memref<2x128x128xf32, #tpu.memory_space<vmem>> -> memref<1x128x128xf32, #tpu.memory_space<vmem>>
        %dma_start3A_107 = tpu.memref_squeeze %dma_start3A_106 : memref<1x128x128xf32, #tpu.memory_space<vmem>> -> memref<128x128xf32, #tpu.memory_space<vmem>>
        %dma_start3A_108 = arith.constant 0 : i32
        %dma_start3A_109 = tpu.memref_slice %arg8[%add3A_82, %dma_start3A_108] : memref<10240x128xf32, #tpu.memory_space<vmem_shared>> -> memref<128x128xf32, #tpu.memory_space<vmem_shared>>
        tpu.enqueue_dma source(%dma_start3A_109 : memref<128x128xf32, #tpu.memory_space<vmem_shared>>) target(%dma_start3A_107 : memref<128x128xf32, #tpu.memory_space<vmem>>) target_semaphore(%run_scoped3A_97 : memref<!tpu.dma_semaphore, #tpu.memory_space<semaphore_mem>>)
        %dma_wait3A = arith.constant 0 : i32
        %dma_wait3A_110 = arith.constant 0 : i32
        %dma_wait3A_111 = tpu.memref_slice %arg7[%run_scoped3A_83, %dma_wait3A, %dma_wait3A_110] : memref<2x128x128xf32, #tpu.memory_space<vmem>> -> memref<1x128x128xf32, #tpu.memory_space<vmem>>
        %dma_wait3A_112 = tpu.memref_squeeze %dma_wait3A_111 : memref<1x128x128xf32, #tpu.memory_space<vmem>> -> memref<128x128xf32, #tpu.memory_space<vmem>>
        %dma_wait3A_113 = arith.constant 0 : i32
        %dma_wait3A_114 = tpu.memref_slice %arg8[%add3A_82, %dma_wait3A_113] : memref<10240x128xf32, #tpu.memory_space<vmem_shared>> -> memref<128x128xf32, #tpu.memory_space<vmem_shared>>
        %dma_wait3A_115 = arith.constant 0 : i32
        %dma_wait3A_116 = arith.constant 0 : i32
        %dma_wait3A_117 = tpu.memref_slice %arg7[%run_scoped3A_83, %dma_wait3A_115, %dma_wait3A_116] : memref<2x128x128xf32, #tpu.memory_space<vmem>> -> memref<1x128x128xf32, #tpu.memory_space<vmem>>
        %dma_wait3A_118 = tpu.memref_squeeze %dma_wait3A_117 : memref<1x128x128xf32, #tpu.memory_space<vmem>> -> memref<128x128xf32, #tpu.memory_space<vmem>>
        %dma_wait3A_119 = arith.constant 0 : i32
        %dma_wait3A_120 = tpu.memref_slice %arg8[%add3A_82, %dma_wait3A_119] : memref<10240x128xf32, #tpu.memory_space<vmem_shared>> -> memref<128x128xf32, #tpu.memory_space<vmem_shared>>
        tpu.wait_dma2 semaphore(%run_scoped3A_97 : memref<!tpu.dma_semaphore, #tpu.memory_space<semaphore_mem>>) src(%dma_wait3A_120 : memref<128x128xf32, #tpu.memory_space<vmem_shared>>) dst(%dma_wait3A_118 : memref<128x128xf32, #tpu.memory_space<vmem>>)
        tpu.yield
      }) : () -> ()
      %run_scoped3A_84 = arith.constant 0 : i32
      "tpu.region"() ({
        %run_scoped3A_97 = tpu.sem_alloc : memref<!tpu.dma_semaphore, #tpu.memory_space<semaphore_mem>>
        %dma_start3A_98 = arith.constant 0 : i32
        %dma_start3A_99 = arith.constant 0 : i32
        %dma_start3A_100 = tpu.memref_slice %arg7[%run_scoped3A_84, %dma_start3A_98, %dma_start3A_99] : memref<2x128x128xf32, #tpu.memory_space<vmem>> -> memref<1x128x128xf32, #tpu.memory_space<vmem>>
        %dma_start3A_101 = tpu.memref_squeeze %dma_start3A_100 : memref<1x128x128xf32, #tpu.memory_space<vmem>> -> memref<128x128xf32, #tpu.memory_space<vmem>>
        %dma_start3A_102 = arith.constant 0 : i32
        %dma_start3A_103 = tpu.memref_slice %arg5[%add3A_82, %dma_start3A_102] : memref<10240x128xf32, #tpu.memory_space<hbm>> -> memref<128x128xf32, #tpu.memory_space<hbm>>
        %dma_start3A_104 = arith.constant 0 : i32
        %dma_start3A_105 = tpu.memref_slice %arg5[%add3A_82, %dma_start3A_104] : memref<10240x128xf32, #tpu.memory_space<hbm>> -> memref<128x128xf32, #tpu.memory_space<hbm>>
        %dma_start3A_106 = arith.constant 0 : i32
        %dma_start3A_107 = arith.constant 0 : i32
        %dma_start3A_108 = tpu.memref_slice %arg7[%run_scoped3A_84, %dma_start3A_106, %dma_start3A_107] : memref<2x128x128xf32, #tpu.memory_space<vmem>> -> memref<1x128x128xf32, #tpu.memory_space<vmem>>
        %dma_start3A_109 = tpu.memref_squeeze %dma_start3A_108 : memref<1x128x128xf32, #tpu.memory_space<vmem>> -> memref<128x128xf32, #tpu.memory_space<vmem>>
        tpu.enqueue_dma source(%dma_start3A_109 : memref<128x128xf32, #tpu.memory_space<vmem>>) target(%dma_start3A_105 : memref<128x128xf32, #tpu.memory_space<hbm>>) target_semaphore(%run_scoped3A_97 : memref<!tpu.dma_semaphore, #tpu.memory_space<semaphore_mem>>)
        %dma_wait3A = arith.constant 0 : i32
        %dma_wait3A_110 = arith.constant 0 : i32
        %dma_wait3A_111 = tpu.memref_slice %arg7[%run_scoped3A_84, %dma_wait3A, %dma_wait3A_110] : memref<2x128x128xf32, #tpu.memory_space<vmem>> -> memref<1x128x128xf32, #tpu.memory_space<vmem>>
        %dma_wait3A_112 = tpu.memref_squeeze %dma_wait3A_111 : memref<1x128x128xf32, #tpu.memory_space<vmem>> -> memref<128x128xf32, #tpu.memory_space<vmem>>
        %dma_wait3A_113 = arith.constant 0 : i32
        %dma_wait3A_114 = tpu.memref_slice %arg5[%add3A_82, %dma_wait3A_113] : memref<10240x128xf32, #tpu.memory_space<hbm>> -> memref<128x128xf32, #tpu.memory_space<hbm>>
        %dma_wait3A_115 = arith.constant 0 : i32
        %dma_wait3A_116 = tpu.memref_slice %arg5[%add3A_82, %dma_wait3A_115] : memref<10240x128xf32, #tpu.memory_space<hbm>> -> memref<128x128xf32, #tpu.memory_space<hbm>>
        %dma_wait3A_117 = arith.constant 0 : i32
        %dma_wait3A_118 = arith.constant 0 : i32
        %dma_wait3A_119 = tpu.memref_slice %arg7[%run_scoped3A_84, %dma_wait3A_117, %dma_wait3A_118] : memref<2x128x128xf32, #tpu.memory_space<vmem>> -> memref<1x128x128xf32, #tpu.memory_space<vmem>>
        %dma_wait3A_120 = tpu.memref_squeeze %dma_wait3A_119 : memref<1x128x128xf32, #tpu.memory_space<vmem>> -> memref<128x128xf32, #tpu.memory_space<vmem>>
        tpu.wait_dma2 semaphore(%run_scoped3A_97 : memref<!tpu.dma_semaphore, #tpu.memory_space<semaphore_mem>>) src(%dma_wait3A_120 : memref<128x128xf32, #tpu.memory_space<vmem>>) dst(%dma_wait3A_116 : memref<128x128xf32, #tpu.memory_space<hbm>>)
        tpu.yield
      }) : () -> ()
      %mul3A_85 = arith.constant 640 : i32
      %mul3A_86 = arith.muli %arg1, %mul3A_85 : i32
      %add3A_87 = arith.constant 384 : i32
      %add3A_88 = arith.addi %mul3A_86, %add3A_87 : i32
      %run_scoped3A_89 = arith.constant 0 : i32
      "tpu.region"() ({
        %run_scoped3A_97 = tpu.sem_alloc : memref<!tpu.dma_semaphore, #tpu.memory_space<semaphore_mem>>
        %dma_start3A_98 = arith.constant 0 : i32
        %dma_start3A_99 = arith.constant 0 : i32
        %dma_start3A_100 = tpu.memref_slice %arg7[%run_scoped3A_89, %dma_start3A_98, %dma_start3A_99] : memref<2x128x128xf32, #tpu.memory_space<vmem>> -> memref<1x128x128xf32, #tpu.memory_space<vmem>>
        %dma_start3A_101 = tpu.memref_squeeze %dma_start3A_100 : memref<1x128x128xf32, #tpu.memory_space<vmem>> -> memref<128x128xf32, #tpu.memory_space<vmem>>
        %dma_start3A_102 = arith.constant 0 : i32
        %dma_start3A_103 = tpu.memref_slice %arg8[%add3A_88, %dma_start3A_102] : memref<10240x128xf32, #tpu.memory_space<vmem_shared>> -> memref<128x128xf32, #tpu.memory_space<vmem_shared>>
        %dma_start3A_104 = arith.constant 0 : i32
        %dma_start3A_105 = arith.constant 0 : i32
        %dma_start3A_106 = tpu.memref_slice %arg7[%run_scoped3A_89, %dma_start3A_104, %dma_start3A_105] : memref<2x128x128xf32, #tpu.memory_space<vmem>> -> memref<1x128x128xf32, #tpu.memory_space<vmem>>
        %dma_start3A_107 = tpu.memref_squeeze %dma_start3A_106 : memref<1x128x128xf32, #tpu.memory_space<vmem>> -> memref<128x128xf32, #tpu.memory_space<vmem>>
        %dma_start3A_108 = arith.constant 0 : i32
        %dma_start3A_109 = tpu.memref_slice %arg8[%add3A_88, %dma_start3A_108] : memref<10240x128xf32, #tpu.memory_space<vmem_shared>> -> memref<128x128xf32, #tpu.memory_space<vmem_shared>>
        tpu.enqueue_dma source(%dma_start3A_109 : memref<128x128xf32, #tpu.memory_space<vmem_shared>>) target(%dma_start3A_107 : memref<128x128xf32, #tpu.memory_space<vmem>>) target_semaphore(%run_scoped3A_97 : memref<!tpu.dma_semaphore, #tpu.memory_space<semaphore_mem>>)
        %dma_wait3A = arith.constant 0 : i32
        %dma_wait3A_110 = arith.constant 0 : i32
        %dma_wait3A_111 = tpu.memref_slice %arg7[%run_scoped3A_89, %dma_wait3A, %dma_wait3A_110] : memref<2x128x128xf32, #tpu.memory_space<vmem>> -> memref<1x128x128xf32, #tpu.memory_space<vmem>>
        %dma_wait3A_112 = tpu.memref_squeeze %dma_wait3A_111 : memref<1x128x128xf32, #tpu.memory_space<vmem>> -> memref<128x128xf32, #tpu.memory_space<vmem>>
        %dma_wait3A_113 = arith.constant 0 : i32
        %dma_wait3A_114 = tpu.memref_slice %arg8[%add3A_88, %dma_wait3A_113] : memref<10240x128xf32, #tpu.memory_space<vmem_shared>> -> memref<128x128xf32, #tpu.memory_space<vmem_shared>>
        %dma_wait3A_115 = arith.constant 0 : i32
        %dma_wait3A_116 = arith.constant 0 : i32
        %dma_wait3A_117 = tpu.memref_slice %arg7[%run_scoped3A_89, %dma_wait3A_115, %dma_wait3A_116] : memref<2x128x128xf32, #tpu.memory_space<vmem>> -> memref<1x128x128xf32, #tpu.memory_space<vmem>>
        %dma_wait3A_118 = tpu.memref_squeeze %dma_wait3A_117 : memref<1x128x128xf32, #tpu.memory_space<vmem>> -> memref<128x128xf32, #tpu.memory_space<vmem>>
        %dma_wait3A_119 = arith.constant 0 : i32
        %dma_wait3A_120 = tpu.memref_slice %arg8[%add3A_88, %dma_wait3A_119] : memref<10240x128xf32, #tpu.memory_space<vmem_shared>> -> memref<128x128xf32, #tpu.memory_space<vmem_shared>>
        tpu.wait_dma2 semaphore(%run_scoped3A_97 : memref<!tpu.dma_semaphore, #tpu.memory_space<semaphore_mem>>) src(%dma_wait3A_120 : memref<128x128xf32, #tpu.memory_space<vmem_shared>>) dst(%dma_wait3A_118 : memref<128x128xf32, #tpu.memory_space<vmem>>)
        tpu.yield
      }) : () -> ()
      %run_scoped3A_90 = arith.constant 0 : i32
      "tpu.region"() ({
        %run_scoped3A_97 = tpu.sem_alloc : memref<!tpu.dma_semaphore, #tpu.memory_space<semaphore_mem>>
        %dma_start3A_98 = arith.constant 0 : i32
        %dma_start3A_99 = arith.constant 0 : i32
        %dma_start3A_100 = tpu.memref_slice %arg7[%run_scoped3A_90, %dma_start3A_98, %dma_start3A_99] : memref<2x128x128xf32, #tpu.memory_space<vmem>> -> memref<1x128x128xf32, #tpu.memory_space<vmem>>
        %dma_start3A_101 = tpu.memref_squeeze %dma_start3A_100 : memref<1x128x128xf32, #tpu.memory_space<vmem>> -> memref<128x128xf32, #tpu.memory_space<vmem>>
        %dma_start3A_102 = arith.constant 0 : i32
        %dma_start3A_103 = tpu.memref_slice %arg5[%add3A_88, %dma_start3A_102] : memref<10240x128xf32, #tpu.memory_space<hbm>> -> memref<128x128xf32, #tpu.memory_space<hbm>>
        %dma_start3A_104 = arith.constant 0 : i32
        %dma_start3A_105 = tpu.memref_slice %arg5[%add3A_88, %dma_start3A_104] : memref<10240x128xf32, #tpu.memory_space<hbm>> -> memref<128x128xf32, #tpu.memory_space<hbm>>
        %dma_start3A_106 = arith.constant 0 : i32
        %dma_start3A_107 = arith.constant 0 : i32
        %dma_start3A_108 = tpu.memref_slice %arg7[%run_scoped3A_90, %dma_start3A_106, %dma_start3A_107] : memref<2x128x128xf32, #tpu.memory_space<vmem>> -> memref<1x128x128xf32, #tpu.memory_space<vmem>>
        %dma_start3A_109 = tpu.memref_squeeze %dma_start3A_108 : memref<1x128x128xf32, #tpu.memory_space<vmem>> -> memref<128x128xf32, #tpu.memory_space<vmem>>
        tpu.enqueue_dma source(%dma_start3A_109 : memref<128x128xf32, #tpu.memory_space<vmem>>) target(%dma_start3A_105 : memref<128x128xf32, #tpu.memory_space<hbm>>) target_semaphore(%run_scoped3A_97 : memref<!tpu.dma_semaphore, #tpu.memory_space<semaphore_mem>>)
        %dma_wait3A = arith.constant 0 : i32
        %dma_wait3A_110 = arith.constant 0 : i32
        %dma_wait3A_111 = tpu.memref_slice %arg7[%run_scoped3A_90, %dma_wait3A, %dma_wait3A_110] : memref<2x128x128xf32, #tpu.memory_space<vmem>> -> memref<1x128x128xf32, #tpu.memory_space<vmem>>
        %dma_wait3A_112 = tpu.memref_squeeze %dma_wait3A_111 : memref<1x128x128xf32, #tpu.memory_space<vmem>> -> memref<128x128xf32, #tpu.memory_space<vmem>>
        %dma_wait3A_113 = arith.constant 0 : i32
        %dma_wait3A_114 = tpu.memref_slice %arg5[%add3A_88, %dma_wait3A_113] : memref<10240x128xf32, #tpu.memory_space<hbm>> -> memref<128x128xf32, #tpu.memory_space<hbm>>
        %dma_wait3A_115 = arith.constant 0 : i32
        %dma_wait3A_116 = tpu.memref_slice %arg5[%add3A_88, %dma_wait3A_115] : memref<10240x128xf32, #tpu.memory_space<hbm>> -> memref<128x128xf32, #tpu.memory_space<hbm>>
        %dma_wait3A_117 = arith.constant 0 : i32
        %dma_wait3A_118 = arith.constant 0 : i32
        %dma_wait3A_119 = tpu.memref_slice %arg7[%run_scoped3A_90, %dma_wait3A_117, %dma_wait3A_118] : memref<2x128x128xf32, #tpu.memory_space<vmem>> -> memref<1x128x128xf32, #tpu.memory_space<vmem>>
        %dma_wait3A_120 = tpu.memref_squeeze %dma_wait3A_119 : memref<1x128x128xf32, #tpu.memory_space<vmem>> -> memref<128x128xf32, #tpu.memory_space<vmem>>
        tpu.wait_dma2 semaphore(%run_scoped3A_97 : memref<!tpu.dma_semaphore, #tpu.memory_space<semaphore_mem>>) src(%dma_wait3A_120 : memref<128x128xf32, #tpu.memory_space<vmem>>) dst(%dma_wait3A_116 : memref<128x128xf32, #tpu.memory_space<hbm>>)
        tpu.yield
      }) : () -> ()
      %mul3A_91 = arith.constant 640 : i32
      %mul3A_92 = arith.muli %arg1, %mul3A_91 : i32
      %add3A_93 = arith.constant 512 : i32
      %add3A_94 = arith.addi %mul3A_92, %add3A_93 : i32
      %run_scoped3A_95 = arith.constant 0 : i32
      "tpu.region"() ({
        %run_scoped3A_97 = tpu.sem_alloc : memref<!tpu.dma_semaphore, #tpu.memory_space<semaphore_mem>>
        %dma_start3A_98 = arith.constant 0 : i32
        %dma_start3A_99 = arith.constant 0 : i32
        %dma_start3A_100 = tpu.memref_slice %arg7[%run_scoped3A_95, %dma_start3A_98, %dma_start3A_99] : memref<2x128x128xf32, #tpu.memory_space<vmem>> -> memref<1x128x128xf32, #tpu.memory_space<vmem>>
        %dma_start3A_101 = tpu.memref_squeeze %dma_start3A_100 : memref<1x128x128xf32, #tpu.memory_space<vmem>> -> memref<128x128xf32, #tpu.memory_space<vmem>>
        %dma_start3A_102 = arith.constant 0 : i32
        %dma_start3A_103 = tpu.memref_slice %arg8[%add3A_94, %dma_start3A_102] : memref<10240x128xf32, #tpu.memory_space<vmem_shared>> -> memref<128x128xf32, #tpu.memory_space<vmem_shared>>
        %dma_start3A_104 = arith.constant 0 : i32
        %dma_start3A_105 = arith.constant 0 : i32
        %dma_start3A_106 = tpu.memref_slice %arg7[%run_scoped3A_95, %dma_start3A_104, %dma_start3A_105] : memref<2x128x128xf32, #tpu.memory_space<vmem>> -> memref<1x128x128xf32, #tpu.memory_space<vmem>>
        %dma_start3A_107 = tpu.memref_squeeze %dma_start3A_106 : memref<1x128x128xf32, #tpu.memory_space<vmem>> -> memref<128x128xf32, #tpu.memory_space<vmem>>
        %dma_start3A_108 = arith.constant 0 : i32
        %dma_start3A_109 = tpu.memref_slice %arg8[%add3A_94, %dma_start3A_108] : memref<10240x128xf32, #tpu.memory_space<vmem_shared>> -> memref<128x128xf32, #tpu.memory_space<vmem_shared>>
        tpu.enqueue_dma source(%dma_start3A_109 : memref<128x128xf32, #tpu.memory_space<vmem_shared>>) target(%dma_start3A_107 : memref<128x128xf32, #tpu.memory_space<vmem>>) target_semaphore(%run_scoped3A_97 : memref<!tpu.dma_semaphore, #tpu.memory_space<semaphore_mem>>)
        %dma_wait3A = arith.constant 0 : i32
        %dma_wait3A_110 = arith.constant 0 : i32
        %dma_wait3A_111 = tpu.memref_slice %arg7[%run_scoped3A_95, %dma_wait3A, %dma_wait3A_110] : memref<2x128x128xf32, #tpu.memory_space<vmem>> -> memref<1x128x128xf32, #tpu.memory_space<vmem>>
        %dma_wait3A_112 = tpu.memref_squeeze %dma_wait3A_111 : memref<1x128x128xf32, #tpu.memory_space<vmem>> -> memref<128x128xf32, #tpu.memory_space<vmem>>
        %dma_wait3A_113 = arith.constant 0 : i32
        %dma_wait3A_114 = tpu.memref_slice %arg8[%add3A_94, %dma_wait3A_113] : memref<10240x128xf32, #tpu.memory_space<vmem_shared>> -> memref<128x128xf32, #tpu.memory_space<vmem_shared>>
        %dma_wait3A_115 = arith.constant 0 : i32
        %dma_wait3A_116 = arith.constant 0 : i32
        %dma_wait3A_117 = tpu.memref_slice %arg7[%run_scoped3A_95, %dma_wait3A_115, %dma_wait3A_116] : memref<2x128x128xf32, #tpu.memory_space<vmem>> -> memref<1x128x128xf32, #tpu.memory_space<vmem>>
        %dma_wait3A_118 = tpu.memref_squeeze %dma_wait3A_117 : memref<1x128x128xf32, #tpu.memory_space<vmem>> -> memref<128x128xf32, #tpu.memory_space<vmem>>
        %dma_wait3A_119 = arith.constant 0 : i32
        %dma_wait3A_120 = tpu.memref_slice %arg8[%add3A_94, %dma_wait3A_119] : memref<10240x128xf32, #tpu.memory_space<vmem_shared>> -> memref<128x128xf32, #tpu.memory_space<vmem_shared>>
        tpu.wait_dma2 semaphore(%run_scoped3A_97 : memref<!tpu.dma_semaphore, #tpu.memory_space<semaphore_mem>>) src(%dma_wait3A_120 : memref<128x128xf32, #tpu.memory_space<vmem_shared>>) dst(%dma_wait3A_118 : memref<128x128xf32, #tpu.memory_space<vmem>>)
        tpu.yield
      }) : () -> ()
      %run_scoped3A_96 = arith.constant 0 : i32
      "tpu.region"() ({
        %run_scoped3A_97 = tpu.sem_alloc : memref<!tpu.dma_semaphore, #tpu.memory_space<semaphore_mem>>
        %dma_start3A_98 = arith.constant 0 : i32
        %dma_start3A_99 = arith.constant 0 : i32
        %dma_start3A_100 = tpu.memref_slice %arg7[%run_scoped3A_96, %dma_start3A_98, %dma_start3A_99] : memref<2x128x128xf32, #tpu.memory_space<vmem>> -> memref<1x128x128xf32, #tpu.memory_space<vmem>>
        %dma_start3A_101 = tpu.memref_squeeze %dma_start3A_100 : memref<1x128x128xf32, #tpu.memory_space<vmem>> -> memref<128x128xf32, #tpu.memory_space<vmem>>
        %dma_start3A_102 = arith.constant 0 : i32
        %dma_start3A_103 = tpu.memref_slice %arg5[%add3A_94, %dma_start3A_102] : memref<10240x128xf32, #tpu.memory_space<hbm>> -> memref<128x128xf32, #tpu.memory_space<hbm>>
        %dma_start3A_104 = arith.constant 0 : i32
        %dma_start3A_105 = tpu.memref_slice %arg5[%add3A_94, %dma_start3A_104] : memref<10240x128xf32, #tpu.memory_space<hbm>> -> memref<128x128xf32, #tpu.memory_space<hbm>>
        %dma_start3A_106 = arith.constant 0 : i32
        %dma_start3A_107 = arith.constant 0 : i32
        %dma_start3A_108 = tpu.memref_slice %arg7[%run_scoped3A_96, %dma_start3A_106, %dma_start3A_107] : memref<2x128x128xf32, #tpu.memory_space<vmem>> -> memref<1x128x128xf32, #tpu.memory_space<vmem>>
        %dma_start3A_109 = tpu.memref_squeeze %dma_start3A_108 : memref<1x128x128xf32, #tpu.memory_space<vmem>> -> memref<128x128xf32, #tpu.memory_space<vmem>>
        tpu.enqueue_dma source(%dma_start3A_109 : memref<128x128xf32, #tpu.memory_space<vmem>>) target(%dma_start3A_105 : memref<128x128xf32, #tpu.memory_space<hbm>>) target_semaphore(%run_scoped3A_97 : memref<!tpu.dma_semaphore, #tpu.memory_space<semaphore_mem>>)
        %dma_wait3A = arith.constant 0 : i32
        %dma_wait3A_110 = arith.constant 0 : i32
        %dma_wait3A_111 = tpu.memref_slice %arg7[%run_scoped3A_96, %dma_wait3A, %dma_wait3A_110] : memref<2x128x128xf32, #tpu.memory_space<vmem>> -> memref<1x128x128xf32, #tpu.memory_space<vmem>>
        %dma_wait3A_112 = tpu.memref_squeeze %dma_wait3A_111 : memref<1x128x128xf32, #tpu.memory_space<vmem>> -> memref<128x128xf32, #tpu.memory_space<vmem>>
        %dma_wait3A_113 = arith.constant 0 : i32
        %dma_wait3A_114 = tpu.memref_slice %arg5[%add3A_94, %dma_wait3A_113] : memref<10240x128xf32, #tpu.memory_space<hbm>> -> memref<128x128xf32, #tpu.memory_space<hbm>>
        %dma_wait3A_115 = arith.constant 0 : i32
        %dma_wait3A_116 = tpu.memref_slice %arg5[%add3A_94, %dma_wait3A_115] : memref<10240x128xf32, #tpu.memory_space<hbm>> -> memref<128x128xf32, #tpu.memory_space<hbm>>
        %dma_wait3A_117 = arith.constant 0 : i32
        %dma_wait3A_118 = arith.constant 0 : i32
        %dma_wait3A_119 = tpu.memref_slice %arg7[%run_scoped3A_96, %dma_wait3A_117, %dma_wait3A_118] : memref<2x128x128xf32, #tpu.memory_space<vmem>> -> memref<1x128x128xf32, #tpu.memory_space<vmem>>
        %dma_wait3A_120 = tpu.memref_squeeze %dma_wait3A_119 : memref<1x128x128xf32, #tpu.memory_space<vmem>> -> memref<128x128xf32, #tpu.memory_space<vmem>>
        tpu.wait_dma2 semaphore(%run_scoped3A_97 : memref<!tpu.dma_semaphore, #tpu.memory_space<semaphore_mem>>) src(%dma_wait3A_120 : memref<128x128xf32, #tpu.memory_space<vmem>>) dst(%dma_wait3A_116 : memref<128x128xf32, #tpu.memory_space<hbm>>)
        tpu.yield
      }) : () -> ()
    } else {
    }
    return
  }
}

module attributes {stable_mosaic.version = 14 : i64} {
  func.func @_tc_linear_relu(%arg0: i32, %arg1: memref<1000x128xf32, #tpu.memory_space<vmem>>, %arg2: memref<128x128xf32, #tpu.memory_space<vmem>>, %arg3: memref<1x128xf32, #tpu.memory_space<vmem>>, %arg4: memref<1000x128xf32, #tpu.memory_space<vmem>>) attributes {dimension_semantics = [#tpu.dimension_semantics<arbitrary>], iteration_bounds = array<i64: 10>, scalar_prefetch = 0 : i64, scratch_operands = 0 : i64, tpu.core_type = #tpu.core_type<tc>, window_params = [{transform_indices = @transform_0, window_bounds = array<i64: 1000, 128>}, {pipeline_mode = #tpu.pipeline_mode<synchronous>, transform_indices = @transform_1, window_bounds = array<i64: 128, 128>}, {pipeline_mode = #tpu.pipeline_mode<synchronous>, transform_indices = @transform_2, window_bounds = array<i64: 1, 128>}, {transform_indices = @transform_3, window_bounds = array<i64: 1000, 128>}]} {
    %get3A = arith.constant 0 : index
    %get3A_0 = arith.constant 0 : index
    %get3A_1 = vector.load %arg1[%get3A, %get3A_0] : memref<1000x128xf32, #tpu.memory_space<vmem>>, vector<1000x128xf32>
    %get3A_2 = arith.constant 0 : index
    %get3A_3 = arith.constant 0 : index
    %get3A_4 = vector.load %arg2[%get3A_2, %get3A_3] : memref<128x128xf32, #tpu.memory_space<vmem>>, vector<128x128xf32>
    %dot_general3A = arith.constant dense<0.000000e+00> : vector<1000x128xf32>
    %dot_general3A_5 = tpu.matmul %get3A_1, %get3A_4, %dot_general3A {dimension_numbers = #tpu.dot_dimension_numbers<[1], [1], [0], [0], [0, 0, 1, 0], [], []>, transpose_lhs_hint = false} : vector<1000x128xf32>, vector<128x128xf32>, vector<1000x128xf32> -> vector<1000x128xf32>
    %get3A_6 = arith.constant 0 : index
    %get3A_7 = arith.constant 0 : index
    %get3A_8 = vector.load %arg3[%get3A_6, %get3A_7] : memref<1x128xf32, #tpu.memory_space<vmem>>, vector<1x128xf32>
    %add3A = vector.broadcast %get3A_8 : vector<1x128xf32> to vector<1000x128xf32>
    %add3A_9 = arith.addf %dot_general3A_5, %add3A : vector<1000x128xf32>
    %max3A = arith.constant 0.000000e+00 : f32
    %max3A_10 = vector.broadcast %max3A : f32 to vector<1000x128xf32>
    %max3A_11 = arith.maximumf %add3A_9, %max3A_10 : vector<1000x128xf32>
    %swap3A = arith.constant 0 : index
    %swap3A_12 = arith.constant 0 : index
    %swap3A_13 = vector.load %arg4[%swap3A, %swap3A_12] : memref<1000x128xf32, #tpu.memory_space<vmem>>, vector<1000x128xf32>
    tpu.vector_store %arg4[%swap3A, %swap3A_12], %max3A_11 {strides = array<i32>} : memref<1000x128xf32, #tpu.memory_space<vmem>>, vector<1000x128xf32>,
    return
  }
  func.func @transform_0(%arg0: i32) -> (i32, i32) {
    %c0_i32 = arith.constant 0 : i32
    %c0_i32_0 = arith.constant 0 : i32
    return %arg0, %c0_i32 : i32, i32
  }
  func.func @transform_1(%arg0: i32) -> (i32, i32) {
    %c0_i32 = arith.constant 0 : i32
    %c0_i32_0 = arith.constant 0 : i32
    %c0_i32_1 = arith.constant 0 : i32
    return %c0_i32, %c0_i32_0 : i32, i32
  }
  func.func @transform_2(%arg0: i32) -> (i32, i32) {
    %c0_i32 = arith.constant 0 : i32
    %c0_i32_0 = arith.constant 0 : i32
    %c0_i32_1 = arith.constant 0 : i32
    return %c0_i32, %c0_i32_0 : i32, i32
  }
  func.func @transform_3(%arg0: i32) -> (i32, i32) {
    %c0_i32 = arith.constant 0 : i32
    %c0_i32_0 = arith.constant 0 : i32
    return %arg0, %c0_i32 : i32, i32
  }
}

module attributes {stable_mosaic.version = 14 : i64} {
  func.func @_tc_add(%arg0: i32, %arg1: memref<1000x128xf32, #tpu.memory_space<vmem>>, %arg2: memref<1000x128xf32, #tpu.memory_space<vmem>>, %arg3: memref<1000x128xf32, #tpu.memory_space<vmem>>) attributes {dimension_semantics = [#tpu.dimension_semantics<arbitrary>], iteration_bounds = array<i64: 10>, scalar_prefetch = 0 : i64, scratch_operands = 0 : i64, tpu.core_type = #tpu.core_type<tc>, window_params = [{transform_indices = @transform_0, window_bounds = array<i64: 1000, 128>}, {transform_indices = @transform_1, window_bounds = array<i64: 1000, 128>}, {transform_indices = @transform_2, window_bounds = array<i64: 1000, 128>}]} {
    %get3A = arith.constant 0 : index
    %get3A_0 = arith.constant 0 : index
    %get3A_1 = vector.load %arg1[%get3A, %get3A_0] : memref<1000x128xf32, #tpu.memory_space<vmem>>, vector<1000x128xf32>
    %get3A_2 = arith.constant 0 : index
    %get3A_3 = arith.constant 0 : index
    %get3A_4 = vector.load %arg2[%get3A_2, %get3A_3] : memref<1000x128xf32, #tpu.memory_space<vmem>>, vector<1000x128xf32>
    %add3A = arith.addf %get3A_1, %get3A_4 : vector<1000x128xf32>
    %swap3A = arith.constant 0 : index
    %swap3A_5 = arith.constant 0 : index
    %swap3A_6 = vector.load %arg3[%swap3A, %swap3A_5] : memref<1000x128xf32, #tpu.memory_space<vmem>>, vector<1000x128xf32>
    tpu.vector_store %arg3[%swap3A, %swap3A_5], %add3A {strides = array<i32>} : memref<1000x128xf32, #tpu.memory_space<vmem>>, vector<1000x128xf32>,
    return
  }
  func.func @transform_0(%arg0: i32) -> (i32, i32) {
    %c0_i32 = arith.constant 0 : i32
    %c0_i32_0 = arith.constant 0 : i32
    return %arg0, %c0_i32 : i32, i32
  }
  func.func @transform_1(%arg0: i32) -> (i32, i32) {
    %c0_i32 = arith.constant 0 : i32
    %c0_i32_0 = arith.constant 0 : i32
    return %arg0, %c0_i32 : i32, i32
  }
  func.func @transform_2(%arg0: i32) -> (i32, i32) {
    %c0_i32 = arith.constant 0 : i32
    %c0_i32_0 = arith.constant 0 : i32
    return %arg0, %c0_i32 : i32, i32
  }
}

</mosaic_0001>

<sc_bundles>
// kernel: kernel.5.cloned.1.call-start
scs
__scs_entry_jumppad:
0x0: {  	(pc) =	sbr.rel $0x88, $3  }
0x1: {  	(tag) =	ssettag $0x0;
	lr =	simm.s32 $0x1  }
0x2: {  	[smem:$0x3F9D] =	sst lr;
	_ =	strace $0xD0000000  }
0x3: {  	_ = 	snop  }
0x4: {  	_ = 	snop  }
0x5: {  	_ = 	snop  }
0x6: {  	_ = 	snop  }
0x7: {  	_ = 	snop  }
__scs_overlays_trampoline_lowered:
0x8: {  	[smem:$0x3FAC] =	sst s0  }
0x9: {  	[smem:$0x3FAD] =	sst s1  }
0xa: {  	[smem:$0x3FAE] =	sst s2  }
0xb: {  	[smem:$0x3FAF] =	sst s3  }
0xc: {  	[smem:$0x3FB0] =	sst s4  }
0xd: {  	[smem:$0x3FB1] =	sst s5  }
0xe: {  	[smem:$0x3FB2] =	sst s6  }
0xf: {  	[smem:$0x3FB3] =	sst s7  }
0x10: {  	[smem:$0x3FB4] =	sst s8  }
0x11: {  	[smem:$0x3FB5] =	sst s9;
	s0 =	simm.s32 @!p0 $0x0  }
0x12: {  	s1 =	sld [smem:$0x3F9B];
	s0 =	simm.s32 @p0 $0x1  }
0x13: {  	[smem:$0x3FB6] =	sst s0;
	s0 =	simm.s32 @!p1 $0x0  }
0x14: {  	s2 =	sld [smem:$0x3F9A];
	s0 =	simm.s32 @p1 $0x1  }
0x15: {  	[smem:$0x3FB7] =	sst s0;
	s0 =	simm.s32 @!p2 $0x0  }
0x16: {  	s3 =	sld [smem:$0x3FDB];
	s0 =	simm.s32 @p2 $0x1  }
0x17: {  	s4 =	simm.s32 $0x1BF5;
	[smem:$0x3FB9] =	sst s0  }
0x18: {  	s0 =	sld [smem:$0x3F9C];
	_ =	swait.ge [sflag:s4], $0x0  }
0x19: {  	s7 =	sld [smem:$0x3F9D]  }
0x1a: {  	s8 =	sadd.s32 $0xFFFFE003, lr  }
0x1b: {  	s9 =	sadd.s32 $0xFFFFFEF7, lr;
	s5 =	simm.s32 $0xFFFFFFFF;
	p2 =	slt.u32 s8, $0xFFFFF086  }
0x1c: {  	p1 =	slt.u32 s9, $0xF7A;
	s5 =	simm.s32 @!p2 $0x0  }
0x1d: {  	s5 =	simm.s32 @p1 $0x1;
	p0 =	seq.s32 s7, s2  }
0x1e: {  	s7 =	smul.u32 @!p0 $0xF7A, s2;
	p2 =	seq.s32 @!p0 s5, $0x0  }
0x1f: {  	s9 =	smul.u32 $0xF7A, s1;
	s8 =	simm.s32 @!p0 $0x1BF5;
	p2 =	por !p2, p0  }
0x20: {  	[sflag:s8] =	ssyncset.s32 @!p0 $0xFFFFF086;
	s6 =	sadd.s32 @!p0 s3, s7;
	s7 =	simm.s32 @!p0 $0x108  }
0x21: {  	s3 =	sadd.s32 s3, s9;
	s6 =	sadd.s32 @!p0 $0x88, s6;
	s7 =	simm.s32 @p2 $0x1082  }
0x22: {  	[simem:s7], [sflag:s8] =	dma.local @!p0 [hbm:s6], $0xF7A  }
0x23: {  	s9 =	sor.u32 $0xD0000000, s2;
	s6 =	simm.s32 $0x108;
	_ =	swait.ge @!p0 [sflag:s8], $0x0  }
0x24: {  	s3 =	sadd.s32 $0x88, s3;
	s6 =	simm.s32 @!p1 $0x1082;
	[sflag:s4] =	ssyncset.s32 $0xFFFFF086  }
0x25: {  	[simem:s6], [sflag:s4] =	dma.local [hbm:s3], $0xF7A  }
0x26: {  	[smem:$0x3F9D] =	sst s1;
	(tag) =	ssettag s2;
	_ =	strace s9  }
0x27: {  	s1 =	sld [smem:$0x3FAD]  }
0x28: {  	s2 =	sld [smem:$0x3FAE]  }
0x29: {  	s4 =	sld [smem:$0x3FB0]  }
0x2a: {  	p0 =	seq.s32 s5, $0x0;
	s5 =	sld [smem:$0x3FB1]  }
0x2b: {  	s6 =	sld [smem:$0x3FB2]  }
0x2c: {  	s7 =	sld [smem:$0x3FB3]  }
0x2d: {  	s3 =	simm.s32 $0x108;
	s8 =	sld [smem:$0x3FB4]  }
0x2e: {  	s3 =	simm.s32 @!p0 $0x1082;
	s9 =	sld [smem:$0x3FB5]  }
0x2f: {  	lr =	sadd.s32 s0, s3;
	s0 =	sld [smem:$0x3FAC]  }
0x30: {  	s3 =	sld [smem:$0x3FAF]  }
0x31: {  	[smem:$0x3FB8] =	sst s10  }
0x32: {  	s10 =	sld [smem:$0x3FB6];
	_ =	sdelay $0x3  }
0x33: {  	p0 =	seq.s32 s10, $0x1;
	s10 =	sld [smem:$0x3FB8];
	_ =	sdelay $0x3  }
0x34: {  	[smem:$0x3FB8] =	sst s10  }
0x35: {  	s10 =	sld [smem:$0x3FB7];
	_ =	sdelay $0x3  }
0x36: {  	p1 =	seq.s32 s10, $0x1;
	s10 =	sld [smem:$0x3FB8];
	_ =	sdelay $0x3  }
0x37: {  	[smem:$0x3FB8] =	sst s10  }
0x38: {  	s10 =	sld [smem:$0x3FB9]  }
0x39: {  	_ = 	snop;
	(pc) =	sbr.ind lr, $3  }
0x3a: {  	_ = 	snop  }
0x3b: {  	_ = 	snop  }
0x3c: {  	p2 =	seq.s32 s10, $0x1;
	s10 =	sld [smem:$0x3FB8]  }
0x3d: {  	_ =	shalt  }
0x3e: {  	_ =	shalt  }
0x3f: {  	_ =	shalt  }
0x40: {  	_ =	shalt  }
0x41: {  	_ =	shalt  }
0x42: {  	_ =	shalt  }
0x43: {  	_ =	shalt  }
0x44: {  	_ =	shalt  }
0x45: {  	_ =	shalt  }
0x46: {  	_ =	shalt  }
0x47: {  	_ =	shalt  }
0x48: {  	_ =	shalt  }
0x49: {  	_ =	shalt  }
0x4a: {  	_ =	shalt  }
0x4b: {  	_ =	shalt  }
0x4c: {  	_ =	shalt  }
0x4d: {  	_ =	shalt  }
0x4e: {  	_ =	shalt  }
0x4f: {  	_ =	shalt  }
0x50: {  	_ =	shalt  }
0x51: {  	_ =	shalt  }
0x52: {  	_ =	shalt  }
0x53: {  	_ =	shalt  }
0x54: {  	_ =	shalt  }
0x55: {  	_ =	shalt  }
0x56: {  	_ =	shalt  }
0x57: {  	_ =	shalt  }
0x58: {  	_ =	shalt  }
0x59: {  	_ =	shalt  }
0x5a: {  	_ =	shalt  }
0x5b: {  	_ =	shalt  }
0x5c: {  	_ =	shalt  }
0x5d: {  	_ =	shalt  }
0x5e: {  	_ =	shalt  }
0x5f: {  	_ =	shalt  }
0x60: {  	_ =	shalt  }
0x61: {  	_ =	shalt  }
0x62: {  	_ =	shalt  }
0x63: {  	_ =	shalt  }
0x64: {  	_ =	shalt  }
0x65: {  	_ =	shalt  }
0x66: {  	_ =	shalt  }
0x67: {  	_ =	shalt  }
0x68: {  	_ =	shalt  }
0x69: {  	_ =	shalt  }
0x6a: {  	_ =	shalt  }
0x6b: {  	_ =	shalt  }
0x6c: {  	_ =	shalt  }
0x6d: {  	_ =	shalt  }
0x6e: {  	_ =	shalt  }
0x6f: {  	_ =	shalt  }
0x70: {  	_ =	shalt  }
0x71: {  	_ =	shalt  }
0x72: {  	_ =	shalt  }
0x73: {  	_ =	shalt  }
0x74: {  	_ =	shalt  }
0x75: {  	_ =	shalt  }
0x76: {  	_ =	shalt  }
0x77: {  	_ =	shalt  }
0x78: {  	_ =	shalt  }
0x79: {  	_ =	shalt  }
0x7a: {  	_ =	shalt  }
0x7b: {  	_ =	shalt  }
0x7c: {  	_ =	shalt  }
0x7d: {  	_ =	shalt  }
0x7e: {  	_ =	shalt  }
0x7f: {  	_ =	shalt  }
0x80: {  	_ =	shalt  }
0x81: {  	_ =	shalt  }
0x82: {  	_ =	shalt  }
0x83: {  	_ =	shalt  }
0x84: {  	_ =	shalt  }
0x85: {  	_ =	shalt  }
0x86: {  	_ =	shalt  }
0x87: {  	_ =	shalt  }
.Lfunc_end0:
.L_simem_size_0:
called_computation_lowered:
.L_overlay_start_0:
0x88: {  	s2 =	sld [smem:$0x3FD9]  }
0x89: {  	s3 =	sld [smem:$0x3FFE];
	_ =	sdelay $0x1  }
0x8a: {  	s1 =	srdreg.scid  }
0x8b: {  	s0 =	sand.u32 $0x1, s1  }
0x8c: {  	s17 =	sshll.u32 s0, $0xA;
	s2 =	sadd.s32 s3, s2  }
0x8d: {  	s2 =	sadd.s32 s2, s17  }
0x8e: {  	[smem:$0x3FC4] =	sst s2  }
0x8f: {  	_ = 	snop  }
0x90: {  	s2 =	sld [smem:$0x3FD0];
	(tm) =	ssettm $0x1  }
0x91: {  	s18 =	sld [smem:$0x3FFB];
	_ =	sdelay $0x3  }
0x92: {  	_ =	strace s18  }
0x93: {  	s3 =	sld [smem:$0x3FFC];
	_ =	sdelay $0x3  }
0x94: {  	_ =	strace s3  }
0x95: {  	s3 =	sld [smem:$0x3FFD];
	_ =	sdelay $0x3  }
0x96: {  	_ =	strace s3  }
0x97: {  	_ =	strace $0x8FFFFFFF  }
0x98: {  	s19 =	sld [smem:$0x3FDB];
	_ =	sdelay $0x1  }
0x99: {  	s4 =	simm.s32 $_scs_section_size  }
0x9a: {  	s5 =	simm.s32 $_size__tile_overlayer_lowered;
	s6 =	simm.s32 $_tile_overlayer_lowered  }
0x9b: {  	s22 =	simm.s32 $0x1BFF;
	s21 =	sshll.u32 s6, $0x1;
	s3 =	sadd.s32 s4, s19  }
0x9c: {  	s7 =	simm.s32 $0x0;
	s20 =	sshll.u32 s5, $0x1;
	s5 =	sadd.s32 s21, s3  }
0x9d: {  	[timem:s7], [sflag:s22] =	dma.local [hbm:s5], s20  }
0x9e: {  	_ =	swait.ge [sflag:s22], s20  }
0x9f: {  	s4 =	ssub.s32 $0x0, s20;
	[sflag:s22] =	ssyncset.done $0x0  }
0xa0: {  	[sflag:s22] =	ssyncadd.s32 s4;
	_ =	sdelay $0x1  }
0xa1: {  	s23 =	simm.s32 $0x1B8B  }
0xa2: {  	_ =	swait.ge [sflag:s23], $0x1  }
0xa3: {  	[sflag:s23] =	ssyncset.done $0x0  }
0xa4: {  	s25 =	simm.s32 $0x1B8E;
	s24 =	sld [smem:$0x3FFE];
	[sflag:s23] =	ssyncadd.s32 $0xFFFFFFFF  }
0xa5: {  	s26 =	simm.s32 $execute0_lowered;
	[smem:$0x3FD2] =	sst s25  }
0xa6: {  	s5 =	sshll.u32 s26, $0x1;
	_ =	strace $0x80000046;
	[dreg:$0x1] =	wrdreg $0xFFFFFFFF  }
0xa7: {  	s28 =	simm.s32 $_size_execute0_lowered;
	s3 =	sadd.s32 s3, s5;
	[dreg:$0x0] =	wrdreg $0x0  }
0xa8: {  	s5 =	sshll.u32 s28, $0x1;
	[dreg:$0x2] =	wrdreg s3  }
0xa9: {  	[dreg:$0x3] =	wrdreg s5  }
0xaa: {  	[dreg:$0x4] =	wrdreg $0xC0  }
0xab: {  	_ =	task [dreg:s7], $0x5FFFF  }
0xac: {  	[dreg:$0x1] =	wrdreg $0xFFFFFFFF  }
0xad: {  	[dreg:$0x0] =	wrdreg $0x60  }
0xae: {  	[dreg:$0x2] =	wrdreg s2  }
0xaf: {  	[dreg:$0x3] =	wrdreg s24  }
0xb0: {  	[dreg:$0x4] =	wrdreg $0x82000  }
0xb1: {  	[dreg:$0x5] =	wrdreg $0x9  }
0xb2: {  	_ =	task.clear_ibuf [dreg:s7], $0x6FFFF;
	_ =	strace $0x90000046  }
0xb3: {  	s29 =	simm.s32 $0x9;
	_ =	strace $0x80000048  }
0xb4: {  	_ =	swait.ge [sflag:s29], $0x1  }
0xb5: {  	[sflag:s29] =	ssyncadd.s32 $0xFFFFFFFF  }
0xb6: {  	_ =	strace $0x90000048  }
0xb7: {  	_ =	sfence  }
0xb8: {  	s30 =	sld [smem:$0x0];
	_ =	sdelay $0x2  }
0xb9: {  	s31 =	sshll.u32 s1, $0xD;
	s1 =	sshrl.u32 s1, $0x2  }
0xba: {  	s3 =	sand.u32 $0x4000, s31;
	s1 =	sadd.s32 s1, s30  }
0xbb: {  	s0 =	sor.u32 s3, s0;
	s1 =	sshll.u32 s1, $0x11  }
0xbc: {  	s0 =	sor.u32 s1, s0  }
0xbd: {  	s0 =	sadd.s32 $0x8F2B, s0  }
0xbe: {  	[sflag:s0] =	ssyncadd.remote.s32 $0x1  }
0xbf: {  	_ =	sfence.sel $0xFFFF  }
0xc0: {  	[dreg:$0x0] =	wrdreg $0xFFFFFFFF;
	(pc) =	sbr.abs _section_cstart, $3  }
0xc1: {  	[dreg:$0x1] =	wrdreg $0xFFFFFFFF  }
0xc2: {  	_ =	task.clear_ibuf [dreg:s7], $0x2FFFF;
	_ =	strace $0x9FFFFFFF  }
0xc3: {  	(tm) =	ssettm $0x7FFFFFFF  }
tec
execute0_lowered:
.L_overlay_start_1:
0x0: {  	(tag) =	ssettag $0x1  }
0x1: {  	s1 =	rddreg [dreg:$0x0]  }
0x2: {  	s0 =	rddreg [dreg:$0x1]  }
0x3: {  	s2 =	rddreg [dreg:$0x2]  }
0x4: {  	s4 =	simm.s32 $0x0;
	s5 =	srdreg.scid;
	s3 =	stileid.u32  }
0x5: {  	s20 =	simm.s32 $0x3D000;
	s28 =	simm.s32 $0x2;
	s29 =	simm.s32 $0x180  }
0x6: {  	s30 =	simm.s32 $0x0;
	[smem:$0x7FF] =	sst s4;
	s7 =	smul.u32 $0x280, s3  }
0x7: {  	s12 =	sand.u32 $0x1, s5;
	s18 =	sadd.s32 $0x1000, s0;
	s9 =	smul.u32 $0x50000, s3  }
0x8: {  	s19 =	smul.u32 $0x2800, s3;
	_ =	strace $0x80000047;
	s5 =	ssub.s32 $0x2, s12  }
0x9: {  	s8 =	sshll.u32 s12, $0x4;
	p0 =	seq.s32 s12, $0x1;
	s6 =	sshrl.u32 s5, $0x1  }
0xa: {  	s8 =	sor.u32 s3, s8;
	s14 =	sadd.s32 $0x80, s7;
	s21 =	sshrl.u32 s9, $0x2  }
0xb: {  	s15 =	sadd.s32 $0x100, s7;
	s16 =	sadd.s32 $0x180, s7;
	s17 =	sadd.s32 $0x200, s7  }
0xc: {  	s20 =	simm.s32 @!p0 $0x15000;
	s13 =	ssub.s32 s5, s6;
	s22 =	sshll.u32 s14, $0x7  }
0xd: {  	s5 =	sadd.s32 s21, s2;
	s23 =	sshll.u32 s15, $0x7;
	s10 =	smul.u32 $0xA00, s8  }
0xe: {  	s24 =	sshll.u32 s16, $0x7;
	s25 =	sshll.u32 s17, $0x7;
	s14 =	sshll.u32 s14, $0x4  }
0xf: {  	s21 =	smul.u32 $0x500, s12;
	s15 =	sshll.u32 s15, $0x4;
	s16 =	sshll.u32 s16, $0x4  }
0x10: {  	s17 =	sshll.u32 s17, $0x4;
	s0 =	sadd.s32 s20, s0;
	s20 =	simm.s32 $0x200  }
0x11: {  	s6 =	sadd.s32 s22, s2;
	s7 =	sadd.s32 s23, s2;
	s8 =	sadd.s32 s24, s2  }
0x12: {  	s9 =	sadd.s32 s25, s2;
	s22 =	smul.u32 $0x50, s3;
	s12 =	smax.u32 s13, $0x1  }
0x13: {  	s13 =	sadd.s32 s0, s19;
	s14 =	sadd.s32 s0, s14;
	s15 =	sadd.s32 s0, s15  }
0x14: {  	s16 =	sadd.s32 s0, s16;
	s17 =	sadd.s32 s0, s17;
	s23 =	simm.s32 $0x80  }
0x15: {  	s24 =	simm.s32 $0x4200;
	s10 =	sadd.s32 s18, s10;
	s26 =	sadd.s32 s22, s21  }
0x16: {  	s25 =	simm.s32 $0x1;
	s11 =	sadd.s32 $0x20, s10;
	s19 =	sshll.u32 s26, $0x5  }
0x17: {  	s21 =	simm.s32 $0x3;
	s22 =	simm.s32 $0x100;
	s31 =	sadd.s32 s19, s18  }
0x18: {  	v0 =	vimm.f32 $0.0e+00;
	s26 =	simm.s32 $0x4;
	s18 =	sadd.s32 $0x60, s31;
	s19 =	sadd.s32 $0x40, s31  }
.LBB2_1:
0x19: {  	s31 =	simm.s32 $0x0;
	s0 =	simm.s32 $0x200  }
.LBB2_2:
0x1a: {  	p0 =	sne.s32 s0, $0xFE00;
	[tilespmem:s31+$0x270] =	vst v0  }
0x1b: {  	[tilespmem:s31+$0x200] =	vst v0  }
0x1c: {  	[tilespmem:s31+$0x210] =	vst v0  }
.Ltmp0:
0x1d: {  	[tilespmem:s31+$0x220] =	vst v0;
	(pc) =	sbr.rel @p0 .LBB2_2-.Ltmp0, $4  }
0x1e: {  	[tilespmem:s31+$0x230] =	vst v0  }
0x1f: {  	[tilespmem:s31+$0x240] =	vst v0  }
0x20: {  	[tilespmem:s31+$0x250] =	vst v0  }
0x21: {  	[tilespmem:s31+$0x260] =	vst v0;
	s31 =	sshra.s32 s0, $0x2;
	s0 =	sadd.s32 $0x200, s0  }
0x22: {  	[tilespmem:s31+$0x270] =	vst v0  }
0x23: {  	[tilespmem:s31+$0x200] =	vst v0  }
0x24: {  	[tilespmem:s31+$0x210] =	vst v0  }
0x25: {  	[tilespmem:s31+$0x220] =	vst v0  }
0x26: {  	[tilespmem:s31+$0x230] =	vst v0  }
0x27: {  	[tilespmem:s31+$0x240] =	vst v0  }
0x28: {  	[tilespmem:s31+$0x250] =	vst v0  }
0x29: {  	[tilespmem:s31+$0x260] =	vst v0  }
0x2a: {  	[spmem:s5] =	stream.linear.scatter [tilespmem:s20], [sflag:$0x3], $0x4000, $0x38;
	[tilespmem:$0x1C200] =	vst v63  }
0x2b: {  	_ =	swait.ge [sflag:s21], $0x4000  }
0x2c: {  	[sflag:s21] =	ssyncset.done $0x0  }
0x2d: {  	[sflag:s21] =	ssyncadd.s32 $0xFFFFC000  }
0x2e: {  	[spmem:s6] =	stream.linear.scatter [tilespmem:s20], [sflag:$0x3], $0x4000, $0x38;
	[tilespmem:$0x1C200] =	vst v63  }
0x2f: {  	_ =	swait.ge [sflag:s21], $0x4000  }
0x30: {  	[sflag:s21] =	ssyncset.done $0x0  }
0x31: {  	[sflag:s21] =	ssyncadd.s32 $0xFFFFC000  }
0x32: {  	[spmem:s7] =	stream.linear.scatter [tilespmem:s20], [sflag:$0x3], $0x4000, $0x38;
	[tilespmem:$0x1C200] =	vst v63  }
0x33: {  	_ =	swait.ge [sflag:s21], $0x4000  }
0x34: {  	[sflag:s21] =	ssyncset.done $0x0  }
0x35: {  	[sflag:s21] =	ssyncadd.s32 $0xFFFFC000  }
0x36: {  	[spmem:s8] =	stream.linear.scatter [tilespmem:s20], [sflag:$0x3], $0x4000, $0x38;
	[tilespmem:$0x1C200] =	vst v63  }
0x37: {  	_ =	swait.ge [sflag:s21], $0x4000  }
0x38: {  	[sflag:s21] =	ssyncset.done $0x0  }
0x39: {  	[sflag:s21] =	ssyncadd.s32 $0xFFFFC000  }
0x3a: {  	[spmem:s9] =	stream.linear.scatter [tilespmem:s20], [sflag:$0x3], $0x4000, $0x38;
	[tilespmem:$0x1C200] =	vst v63  }
0x3b: {  	_ =	swait.ge [sflag:s21], $0x4000  }
0x3c: {  	[sflag:s21] =	ssyncset.done $0x0  }
0x3d: {  	[sflag:s21] =	ssyncadd.s32 $0xFFFFC000  }
0x3e: {  	s0 =	simm.s32 $0x0;
	[bflag:$0x0] =	sbarrier.arrive $0xFFFF  }
0x3f: {  	[tilespmem:s0], [sflag:$0x3] =	stream.linear.gather [hbm4b:s10+s0], $0x100, $0x38;
	[tilespmem:$0x1C200] =	vst v63  }
0x40: {  	_ =	swait.ge [sflag:s21], $0x100  }
0x41: {  	[sflag:s21] =	ssyncset.done $0x0  }
0x42: {  	[sflag:s21] =	ssyncadd.s32 $0xFFFFFF00  }
0x43: {  	[tilespmem:s22], [sflag:$0x3] =	stream.linear.gather [hbm4b:s11+s0], $0x100, $0x38;
	[tilespmem:$0x1C200] =	vst v63  }
0x44: {  	_ =	swait.ge [sflag:s21], $0x100  }
0x45: {  	[sflag:s21] =	ssyncset.done $0x0  }
0x46: {  	[sflag:s21] =	ssyncadd.s32 $0xFFFFFF00  }
0x47: {  	[tilespmem:s20], [sflag:$0x1] =	stream.indirect.gather [hbm4b:s1+s23], $0x80, s0, s23, $0xb8;
	[tilespmem:$0x1C200] =	vst v63  }
0x48: {  	_ = 	snop  }
0x49: {  	[tilespmem:s24], [sflag:$0x2] =	stream.indirect.gather [hbm4b:s1+s23], $0x80, s22, s23, $0xb8;
	[tilespmem:$0x1C200] =	vst v63  }
0x4a: {  	_ =	swait.ge [sflag:s25], $0x4000  }
0x4b: {  	[sflag:s25] =	ssyncset.done $0x0  }
0x4c: {  	[sflag:s25] =	ssyncadd.s32 $0xFFFFC000  }
0x4d: {  	[spmem:s2] =	stream.indirect.scatter.add.f32 [tilespmem:s20], [sflag:$0x4], $0x80, s23, s23, $0xb8;
	[tilespmem:$0x1C200] =	vst v63  }
0x4e: {  	_ =	swait.ge [sflag:s26], $0x4000  }
0x4f: {  	[sflag:s26] =	ssyncset.done $0x0  }
0x50: {  	s3 =	sadd.s32 $0x0, s19;
	[sflag:s26] =	ssyncadd.s32 $0xFFFFC000  }
0x51: {  	[tilespmem:s4], [sflag:$0x4] =	stream.linear.gather [hbm4b:s3+s4], $0x100, $0x38;
	[tilespmem:$0x1C200] =	vst v63  }
0x52: {  	_ =	swait.ge [sflag:s26], $0x100  }
0x53: {  	[sflag:s26] =	ssyncset.done $0x0  }
0x54: {  	[sflag:s26] =	ssyncadd.s32 $0xFFFFFF00  }
0x55: {  	[tilespmem:s20], [sflag:$0x1] =	stream.indirect.gather [hbm4b:s1+s23], $0x80, s4, s23, $0xb8;
	[tilespmem:$0x1C200] =	vst v63  }
0x56: {  	_ =	swait.ge [sflag:s28], $0x4000  }
0x57: {  	[sflag:s28] =	ssyncset.done $0x0  }
0x58: {  	[sflag:s28] =	ssyncadd.s32 $0xFFFFC000  }
0x59: {  	[spmem:s2] =	stream.indirect.scatter.add.f32 [tilespmem:s24], [sflag:$0x4], $0x80, s29, s23, $0xb8;
	[tilespmem:$0x1C200] =	vst v63  }
0x5a: {  	_ =	swait.ge [sflag:s26], $0x4000  }
0x5b: {  	[sflag:s26] =	ssyncset.done $0x0  }
0x5c: {  	s3 =	sadd.s32 $0x0, s18;
	[sflag:s26] =	ssyncadd.s32 $0xFFFFC000  }
0x5d: {  	[tilespmem:s22], [sflag:$0x3] =	stream.linear.gather [hbm4b:s3+s4], $0x100, $0x38;
	[tilespmem:$0x1C200] =	vst v63  }
0x5e: {  	_ =	swait.ge [sflag:s21], $0x100  }
0x5f: {  	s31 =	simm.s32 $0x40;
	[sflag:s21] =	ssyncset.done $0x0  }
.LBB2_4:
0x60: {  	p0 =	sne.s32 s31, $0x980  }
0x61: {  	[sflag:s21] =	ssyncadd.s32 $0xFFFFFF00;
	s0 =	smov.u32 s31;
	s31 =	sadd.s32 $0x40, s31  }
0x62: {  	[tilespmem:s24], [sflag:$0x2] =	stream.indirect.gather [hbm4b:s1+s23], $0x80, s22, s23, $0xb8;
	[tilespmem:$0x1C200] =	vst v63  }
0x63: {  	_ =	swait.ge [sflag:s25], $0x4000  }
0x64: {  	[sflag:s25] =	ssyncset.done $0x0  }
0x65: {  	[sflag:s25] =	ssyncadd.s32 $0xFFFFC000  }
0x66: {  	[spmem:s2] =	stream.indirect.scatter.add.f32 [tilespmem:s20], [sflag:$0x4], $0x80, s23, s23, $0xb8;
	[tilespmem:$0x1C200] =	vst v63  }
0x67: {  	_ =	swait.ge [sflag:s26], $0x4000  }
0x68: {  	[sflag:s26] =	ssyncset.done $0x0  }
0x69: {  	s3 =	sadd.s32 s0, s19;
	[sflag:s26] =	ssyncadd.s32 $0xFFFFC000  }
0x6a: {  	[tilespmem:s4], [sflag:$0x4] =	stream.linear.gather [hbm4b:s3+s4], $0x100, $0x38;
	[tilespmem:$0x1C200] =	vst v63  }
0x6b: {  	_ =	swait.ge [sflag:s26], $0x100  }
0x6c: {  	[sflag:s26] =	ssyncset.done $0x0  }
0x6d: {  	[sflag:s26] =	ssyncadd.s32 $0xFFFFFF00  }
0x6e: {  	[tilespmem:s20], [sflag:$0x1] =	stream.indirect.gather [hbm4b:s1+s23], $0x80, s4, s23, $0xb8;
	[tilespmem:$0x1C200] =	vst v63  }
0x6f: {  	_ =	swait.ge [sflag:s28], $0x4000  }
0x70: {  	[sflag:s28] =	ssyncset.done $0x0  }
0x71: {  	[sflag:s28] =	ssyncadd.s32 $0xFFFFC000  }
0x72: {  	[spmem:s2] =	stream.indirect.scatter.add.f32 [tilespmem:s24], [sflag:$0x4], $0x80, s29, s23, $0xb8;
	[tilespmem:$0x1C200] =	vst v63  }
0x73: {  	_ =	swait.ge [sflag:s26], $0x4000  }
.Ltmp1:
0x74: {  	[sflag:s26] =	ssyncset.done $0x0;
	(pc) =	sbr.rel @p0 .LBB2_4-.Ltmp1, $4  }
0x75: {  	s0 =	sadd.s32 s0, s18;
	[sflag:s26] =	ssyncadd.s32 $0xFFFFC000  }
0x76: {  	[tilespmem:s22], [sflag:$0x3] =	stream.linear.gather [hbm4b:s0+s4], $0x100, $0x38;
	[tilespmem:$0x1C200] =	vst v63  }
0x77: {  	_ =	swait.ge [sflag:s21], $0x100  }
0x78: {  	[sflag:s21] =	ssyncset.done $0x0  }
0x79: {  	[sflag:s21] =	ssyncadd.s32 $0xFFFFFF00  }
0x7a: {  	[tilespmem:s24], [sflag:$0x2] =	stream.indirect.gather [hbm4b:s1+s23], $0x80, s22, s23, $0xb8;
	[tilespmem:$0x1C200] =	vst v63  }
0x7b: {  	_ =	swait.ge [sflag:s25], $0x4000  }
0x7c: {  	[sflag:s25] =	ssyncset.done $0x0  }
0x7d: {  	[sflag:s25] =	ssyncadd.s32 $0xFFFFC000  }
0x7e: {  	[spmem:s2] =	stream.indirect.scatter.add.f32 [tilespmem:s20], [sflag:$0x4], $0x80, s23, s23, $0xb8;
	[tilespmem:$0x1C200] =	vst v63  }
0x7f: {  	_ =	swait.ge [sflag:s26], $0x4000  }
0x80: {  	[sflag:s26] =	ssyncset.done $0x0  }
0x81: {  	[sflag:s26] =	ssyncadd.s32 $0xFFFFC000  }
0x82: {  	_ =	swait.ge [sflag:s28], $0x4000  }
0x83: {  	[sflag:s28] =	ssyncset.done $0x0  }
0x84: {  	[sflag:s28] =	ssyncadd.s32 $0xFFFFC000  }
0x85: {  	[spmem:s2] =	stream.indirect.scatter.add.f32 [tilespmem:s24], [sflag:$0x4], $0x80, s29, s23, $0xb8;
	[tilespmem:$0x1C200] =	vst v63  }
0x86: {  	_ =	swait.ge [sflag:s26], $0x4000  }
0x87: {  	[sflag:s26] =	ssyncset.done $0x0  }
0x88: {  	[sflag:s26] =	ssyncadd.s32 $0xFFFFC000  }
0x89: {  	[bflag:$0x0] =	sbarrier.arrive $0xFFFF  }
0x8a: {  	[tilespmem:s20], [sflag:$0x3] =	stream.linear.gather [spmem:s5], $0x4000, $0x38;
	[tilespmem:$0x1C200] =	vst v63  }
0x8b: {  	_ =	swait.ge [sflag:s21], $0x4000  }
0x8c: {  	[sflag:s21] =	ssyncset.done $0x0  }
0x8d: {  	[sflag:s21] =	ssyncadd.s32 $0xFFFFC000  }
0x8e: {  	[hbm4b:s13+s4] =	stream.linear.scatter [tilespmem:s20], [sflag:$0x3], $0x4000, $0x38;
	[tilespmem:$0x1C200] =	vst v63  }
0x8f: {  	_ =	swait.ge [sflag:s21], $0x4000  }
0x90: {  	[sflag:s21] =	ssyncset.done $0x0  }
0x91: {  	[sflag:s21] =	ssyncadd.s32 $0xFFFFC000  }
0x92: {  	[tilespmem:s20], [sflag:$0x3] =	stream.linear.gather [spmem:s6], $0x4000, $0x38;
	[tilespmem:$0x1C200] =	vst v63  }
0x93: {  	_ =	swait.ge [sflag:s21], $0x4000  }
0x94: {  	[sflag:s21] =	ssyncset.done $0x0  }
0x95: {  	[sflag:s21] =	ssyncadd.s32 $0xFFFFC000  }
0x96: {  	[hbm4b:s14+s4] =	stream.linear.scatter [tilespmem:s20], [sflag:$0x3], $0x4000, $0x38;
	[tilespmem:$0x1C200] =	vst v63  }
0x97: {  	_ =	swait.ge [sflag:s21], $0x4000  }
0x98: {  	[sflag:s21] =	ssyncset.done $0x0  }
0x99: {  	[sflag:s21] =	ssyncadd.s32 $0xFFFFC000  }
0x9a: {  	[tilespmem:s20], [sflag:$0x3] =	stream.linear.gather [spmem:s7], $0x4000, $0x38;
	[tilespmem:$0x1C200] =	vst v63  }
0x9b: {  	_ =	swait.ge [sflag:s21], $0x4000  }
0x9c: {  	[sflag:s21] =	ssyncset.done $0x0  }
0x9d: {  	[sflag:s21] =	ssyncadd.s32 $0xFFFFC000  }
0x9e: {  	[hbm4b:s15+s4] =	stream.linear.scatter [tilespmem:s20], [sflag:$0x3], $0x4000, $0x38;
	[tilespmem:$0x1C200] =	vst v63  }
0x9f: {  	_ =	swait.ge [sflag:s21], $0x4000  }
0xa0: {  	[sflag:s21] =	ssyncset.done $0x0  }
0xa1: {  	[sflag:s21] =	ssyncadd.s32 $0xFFFFC000  }
0xa2: {  	[tilespmem:s20], [sflag:$0x3] =	stream.linear.gather [spmem:s8], $0x4000, $0x38;
	[tilespmem:$0x1C200] =	vst v63  }
0xa3: {  	_ =	swait.ge [sflag:s21], $0x4000  }
0xa4: {  	[sflag:s21] =	ssyncset.done $0x0  }
0xa5: {  	[sflag:s21] =	ssyncadd.s32 $0xFFFFC000  }
0xa6: {  	[hbm4b:s16+s4] =	stream.linear.scatter [tilespmem:s20], [sflag:$0x3], $0x4000, $0x38;
	[tilespmem:$0x1C200] =	vst v63  }
0xa7: {  	_ =	swait.ge [sflag:s21], $0x4000  }
0xa8: {  	[sflag:s21] =	ssyncset.done $0x0  }
0xa9: {  	[sflag:s21] =	ssyncadd.s32 $0xFFFFC000  }
0xaa: {  	[tilespmem:s20], [sflag:$0x3] =	stream.linear.gather [spmem:s9], $0x4000, $0x38;
	[tilespmem:$0x1C200] =	vst v63  }
0xab: {  	s30 =	sadd.s32 $0x1, s30;
	_ =	swait.ge [sflag:s21], $0x4000  }
0xac: {  	p0 =	sne.s32 s30, s12;
	[sflag:s21] =	ssyncset.done $0x0  }
.Ltmp2:
0xad: {  	[sflag:s21] =	ssyncadd.s32 $0xFFFFC000;
	(pc) =	sbr.rel @p0 .LBB2_1-.Ltmp2, $4  }
0xae: {  	[hbm4b:s17+s4] =	stream.linear.scatter [tilespmem:s20], [sflag:$0x3], $0x4000, $0x38;
	[tilespmem:$0x1C200] =	vst v63  }
0xaf: {  	_ =	swait.ge [sflag:s21], $0x4000  }
0xb0: {  	[sflag:s21] =	ssyncset.done $0x0  }
0xb1: {  	[sflag:s21] =	ssyncadd.s32 $0xFFFFC000  }
0xb2: {  	_ =	sfence.sel $0x180000  }
0xb3: {  	[bflag:$0x0] =	sbarrier.arrive $0xFFFF  }
0xb4: {  	_ =	strace $0x90000047  }
0xb5: {  	s0 =	stileid.u32;
	[bflag:$0x2] =	sbarrier.arrive $0xFFFF  }
0xb6: {  	p0 =	sne.s32 s0, $0x0;
	s0 =	rddreg [dreg:$0x3]  }
0xb7: {  	s0 =	sadd.s32 @!p0 $0x100000, s0  }
0xb8: {  	[sflag:s0] =	ssyncadd.tile.s32 @!p0 $0x1;
	_ =	shalt  }
.Lfunc_end2:
_tile_overlayer_lowered:
.L_overlay_start_2:
0xb9: {  	(tag) =	ssettag $0x2  }
0xba: {  	s0 =	rddreg [dreg:$0x0];
	s2 =	stileid.u32  }
0xbb: {  	s1 =	rddreg [dreg:$0x1];
	p0 =	sne.s32 s2, $0x0  }
0xbc: {  	s3 =	rddreg [dreg:$0x2];
	[bflag:$0x3] =	sbarrier.arrive $0xFFFF;
	s2 =	simm.s32 @!p0 $0x1C03  }
0xbd: {  	[timem:s3], [sflag:s2] =	dma.local @!p0 [hbm:s0], s1  }
0xbe: {  	s0 =	simm.s32 @!p0 $0x3  }
0xbf: {  	_ =	swait.ge @!p0 [sflag:s0], s1  }
0xc0: {  	s1 =	ssub.s32 @!p0 $0x0, s1;
	[sflag:s0] =	ssyncset.done @!p0 $0x0  }
0xc1: {  	[sflag:s0] =	ssyncadd.s32 @!p0 s1  }
0xc2: {  	[bflag:$0x3] =	sbarrier.arrive $0xFFFF  }
0xc3: {  	_ =	shalt  }

</sc_bundles>
